<compile_context>
chip_gen: v7x
topology: tpu7x:2x2x1
jax: 0.10.2.dev20260603
libtpu: 0.0.44.dev20260713+nightly
codegen_flags: <defaults>
</compile_context>

<pallas_src>
import functools

import jax
import jax.numpy as jnp
import numpy as np
from jax import lax
from jax.experimental import pallas as pl
from jax.experimental.pallas import tpu as pltpu
from jax.experimental.pallas import tpu_sc as plsc

N_NODES = 10000
N_EDGES = 320000
D = 128
H = 4
DK = D // H

NC = 2
NS = 16
LANES = 16
N_WORKERS = NC * NS

ROW_W = 144
N_PAD = 10240
CHUNK = 64
N_CHUNKS = N_EDGES // CHUNK
ROWS_PER_TILE = N_PAD // NS

BLK = 1000
GRID = N_NODES // BLK


def _pre_body(x_ref, wp_ref, bp_ref, wk_ref, wv_ref, h_ref, hk_ref, hv_ref):
    xb = x_ref[...]
    h = jnp.dot(xb, wp_ref[...], preferred_element_type=jnp.float32) + bp_ref[...]
    h_ref[...] = h
    hk_ref[...] = jnp.dot(h, wk_ref[...], preferred_element_type=jnp.float32) * (
        1.0 / np.sqrt(DK)
    )
    hv_ref[...] = jnp.dot(h, wv_ref[...], preferred_element_type=jnp.float32)


_pre_call = pl.pallas_call(
    _pre_body,
    grid=(GRID,),
    in_specs=[
        pl.BlockSpec((BLK, D), lambda i: (i, 0)),
        pl.BlockSpec((D, D), lambda i: (0, 0)),
        pl.BlockSpec((1, D), lambda i: (0, 0)),
        pl.BlockSpec((D, D), lambda i: (0, 0)),
        pl.BlockSpec((D, D), lambda i: (0, 0)),
    ],
    out_specs=[
        pl.BlockSpec((BLK, D), lambda i: (i, 0)),
        pl.BlockSpec((BLK, D), lambda i: (i, 0)),
        pl.BlockSpec((BLK, D), lambda i: (i, 0)),
    ],
    out_shape=[
        jax.ShapeDtypeStruct((N_NODES, D), jnp.float32),
        jax.ShapeDtypeStruct((N_NODES, D), jnp.float32),
        jax.ShapeDtypeStruct((N_NODES, D), jnp.float32),
    ],
)


def _sc_body(h_hbm, hk_hbm, hv_hbm, src_hbm, dst_hbm, zero_hbm, out_hbm,
             src_v, dst_v, q_v, k_v, v_v, w_v, agg_sh, sem):
    cid = lax.axis_index("c")
    sid = lax.axis_index("s")
    wid = sid * NC + cid

    pltpu.sync_copy(
        zero_hbm.at[pl.ds(sid * ROWS_PER_TILE, ROWS_PER_TILE)],
        agg_sh.at[pl.ds(sid * ROWS_PER_TILE, ROWS_PER_TILE)],
    )
    plsc.subcore_barrier()

    lane = lax.iota(jnp.int32, LANES)
    n_extra = N_CHUNKS % N_WORKERS
    n_my = (N_CHUNKS // N_WORKERS) + jnp.where(wid < n_extra, 1, 0)

    def chunk_body(i, carry):
        base = (i * N_WORKERS + wid) * CHUNK
        pltpu.sync_copy(src_hbm.at[pl.ds(base, CHUNK)], src_v)
        pltpu.sync_copy(dst_hbm.at[pl.ds(base, CHUNK)], dst_v)
        cp_q = pltpu.async_copy(h_hbm.at[dst_v], q_v, sem)
        cp_k = pltpu.async_copy(hk_hbm.at[src_v], k_v, sem)
        cp_v = pltpu.async_copy(hv_hbm.at[src_v], v_v, sem)
        cp_q.wait()
        cp_k.wait()
        cp_v.wait()

        def edge_body(e, carry2):
            svec = jnp.zeros((LANES,), jnp.float32)
            for hh in range(H):
                o0 = 32 * hh
                p = (
                    q_v[e, pl.ds(o0, LANES)] * k_v[e, pl.ds(o0, LANES)]
                    + q_v[e, pl.ds(o0 + 16, LANES)] * k_v[e, pl.ds(o0 + 16, LANES)]
                )
                a = jnp.sum(p)
                ev = jnp.exp(jnp.broadcast_to(a, (LANES,)))
                w_v[e, pl.ds(o0, LANES)] = v_v[e, pl.ds(o0, LANES)] * ev
                w_v[e, pl.ds(o0 + 16, LANES)] = v_v[e, pl.ds(o0 + 16, LANES)] * ev
                svec = svec + ev
            w_v[e, pl.ds(D, LANES)] = jnp.where(lane == 0, svec, 0.0)
            return carry2

        lax.fori_loop(0, CHUNK, edge_body, 0)
        pltpu.sync_copy(w_v, agg_sh.at[dst_v], add=True)
        return carry

    lax.fori_loop(0, n_my, chunk_body, 0)
    plsc.subcore_barrier()

    pltpu.sync_copy(
        agg_sh.at[pl.ds(sid * ROWS_PER_TILE, ROWS_PER_TILE)],
        out_hbm.at[pl.ds(cid * N_PAD + sid * ROWS_PER_TILE, ROWS_PER_TILE)],
    )


@functools.cache
def _sc_call():
  return pl.kernel(
    _sc_body,
    out_type=jax.ShapeDtypeStruct((NC * N_PAD, ROW_W), jnp.float32),
    mesh=plsc.VectorSubcoreMesh(
        core_axis_name="c", subcore_axis_name="s", num_cores=NC, num_subcores=NS
    ),
    scratch_types=[
        pltpu.VMEM((CHUNK,), jnp.int32),
        pltpu.VMEM((CHUNK,), jnp.int32),
        pltpu.VMEM((CHUNK, D), jnp.float32),
        pltpu.VMEM((CHUNK, D), jnp.float32),
        pltpu.VMEM((CHUNK, D), jnp.float32),
        pltpu.VMEM((CHUNK, ROW_W), jnp.float32),
        pltpu.VMEM_SHARED((N_PAD, ROW_W), jnp.float32),
        pltpu.SemaphoreType.DMA,
    ],
    compiler_params=pltpu.CompilerParams(
        needs_layout_passes=False, use_tc_tiling_on_sc=False
    ),
  )


def _post_body(h_ref, agg_ref, wu_ref, bu_ref, g_ref, b_ref, out_ref):
    a = agg_ref[0] + agg_ref[1]
    agg = a[:, :D]
    s = a[:, D : D + 1]
    aggregated = jnp.where(s > 0.0, agg / s, 0.0)
    upd = jnp.dot(aggregated, wu_ref[...], preferred_element_type=jnp.float32) + bu_ref[...]
    z = h_ref[...] + upd
    mu = jnp.mean(z, axis=-1, keepdims=True)
    var = jnp.mean((z - mu) ** 2, axis=-1, keepdims=True)
    res = (z - mu) * lax.rsqrt(var + 1e-5) * g_ref[...] + b_ref[...]
    out_ref[...] = jnp.maximum(res, 0.0)


_post_call = pl.pallas_call(
    _post_body,
    grid=(GRID,),
    in_specs=[
        pl.BlockSpec((BLK, D), lambda i: (i, 0)),
        pl.BlockSpec((NC, BLK, ROW_W), lambda i: (0, i, 0)),
        pl.BlockSpec((D, D), lambda i: (0, 0)),
        pl.BlockSpec((1, D), lambda i: (0, 0)),
        pl.BlockSpec((1, D), lambda i: (0, 0)),
        pl.BlockSpec((1, D), lambda i: (0, 0)),
    ],
    out_specs=pl.BlockSpec((BLK, D), lambda i: (i, 0)),
    out_shape=jax.ShapeDtypeStruct((N_NODES, D), jnp.float32),
)


def kernel(x, edge_index, W_proj, b_proj, W_k, W_v, Wp1, bp1, Wp2, bp2,
           W_upd, b_upd, gamma, beta):
    del Wp1, bp1, Wp2, bp2
    src = edge_index[0]
    dst = edge_index[1]
    h, hk, hv = _pre_call(
        x, W_proj.T, b_proj.reshape(1, D), W_k.T, W_v.T
    )
    zeros = jnp.zeros((N_PAD, ROW_W), jnp.float32)
    agg2 = _sc_call()(h, hk, hv, src, dst, zeros)
    agg2 = agg2.reshape(NC, N_PAD, ROW_W)
    out = _post_call(
        h, agg2, W_upd.T, b_upd.reshape(1, D), gamma.reshape(1, D),
        beta.reshape(1, D),
    )
    return out

# --- scband reference (transcript-rebuilt; emitter-appended) ---
"""Pipeline reference for scband-hgtlayer-68204080660553 (READ-ONLY COPY).

The authoritative reference and input builder live on the scoring server;
editing this copy changes nothing except your own understanding.
"""

import jax, jax.numpy as jnp
import numpy as np

N = 10000
E = 320000
D = 128
H = 4
DK = D // H


def setup_inputs(seed: int = 0) -> dict:
    key = jax.random.key(seed)
    ks = jax.random.split(key, 16)
    s = 1.0 / np.sqrt(D)
    inp = {}
    inp["x"] = jax.random.normal(ks[0], (N, D), dtype=jnp.float32)
    inp["edge_index"] = jax.random.randint(ks[1], (2, E), 0, N)
    inp["W_proj"] = jax.random.normal(ks[2], (D, D), dtype=jnp.float32) * s
    inp["b_proj"] = jnp.zeros((D,), dtype=jnp.float32)
    inp["W_k"] = jax.random.normal(ks[3], (D, D), dtype=jnp.float32) * s
    inp["W_v"] = jax.random.normal(ks[4], (D, D), dtype=jnp.float32) * s
    inp["Wp1"] = jax.random.normal(ks[5], (D, 2 * D), dtype=jnp.float32) * (1.0 / np.sqrt(2 * D))
    inp["bp1"] = jnp.zeros((D,), dtype=jnp.float32)
    inp["Wp2"] = jax.random.normal(ks[6], (1, D), dtype=jnp.float32) * s
    inp["bp2"] = jnp.zeros((1,), dtype=jnp.float32)
    inp["W_upd"] = jax.random.normal(ks[7], (D, D), dtype=jnp.float32) * s
    inp["b_upd"] = jnp.zeros((D,), dtype=jnp.float32)
    inp["gamma"] = jnp.ones((D,), dtype=jnp.float32)
    inp["beta"] = jnp.zeros((D,), dtype=jnp.float32)
    return inp


def reference(x, edge_index, W_proj, b_proj, W_k, W_v, Wp1, bp1, Wp2, bp2, W_upd, b_upd, gamma, beta):
    src = edge_index[0]
    dst = edge_index[1]
    # type-specific projection
    h = x @ W_proj.T + b_proj
    # gather endpoints
    h_src = h[src]
    Q_dst = h[dst].reshape(E, H, DK)
    # relation-specific K/V projections on gathered sources
    K = (h_src @ W_k.T).reshape(E, H, DK)
    V = (h_src @ W_v.T).reshape(E, H, DK)
    attn = jnp.sum(Q_dst * K, axis=-1) / np.sqrt(DK)
    # scatter_softmax over flattened (edge, head) entries grouped by dst node id
    # (the torch code repeats dst per head, so all heads of a dst share one softmax group)
    m_node = jax.ops.segment_max(jnp.max(attn, axis=1), dst, num_segments=N)
    ex = jnp.exp(attn - m_node[dst][:, None])
    s_node = jax.ops.segment_sum(jnp.sum(ex, axis=1), dst, num_segments=N)
    attn_norm = ex / s_node[dst][:, None]
    weighted_V = (V * attn_norm[:, :, None]).reshape(E, D)
    aggregated = jax.ops.segment_sum(weighted_V, dst, num_segments=N)
    # weight predictor (computed in the torch module; its output is discarded by HGTLayer)
    dst_rep = jax.lax.stop_gradient(Q_dst.reshape(E, D))
    hcat = jnp.concatenate([h_src, dst_rep], axis=1)
    weight_preds = (jnp.maximum(hcat @ Wp1.T + bp1, 0.0) @ Wp2.T + bp2)[:, 0]
    del weight_preds
    # update: skip + LayerNorm + ReLU (dropout=0.0)
    updated = aggregated @ W_upd.T + b_upd
    z = h + updated
    mu = jnp.mean(z, axis=-1, keepdims=True)
    var = jnp.mean((z - mu) ** 2, axis=-1, keepdims=True)
    res = (z - mu) / jnp.sqrt(var + 1e-5) * gamma + beta
    out = jnp.maximum(res, 0.0)
    return out

if __name__ == "__main__":
    import jax
    _d = setup_inputs()
    print(jax.jit(kernel)(*tuple(_d.values())))

</pallas_src>

<mosaic_0001>
#map = affine_map<(d0, d1) -> (0, 0)>
#map1 = affine_map<(d0, d1) -> (0)>
module attributes {stable_mosaic.version = 14 : i64} {
  func.func @_sc_body(%arg0: i32, %arg1: i32, %arg2: memref<10000x128xf32, #tpu.memory_space<hbm>>, %arg3: memref<10000x128xf32, #tpu.memory_space<hbm>>, %arg4: memref<10000x128xf32, #tpu.memory_space<hbm>>, %arg5: memref<320000xi32, #tpu.memory_space<hbm>>, %arg6: memref<320000xi32, #tpu.memory_space<hbm>>, %arg7: memref<10240x144xf32, #tpu.memory_space<hbm>>, %arg8: memref<20480x144xf32, #tpu.memory_space<hbm>>, %arg9: memref<64xi32, #tpu.memory_space<vmem>>, %arg10: memref<64xi32, #tpu.memory_space<vmem>>, %arg11: memref<64x128xf32, #tpu.memory_space<vmem>>, %arg12: memref<64x128xf32, #tpu.memory_space<vmem>>, %arg13: memref<64x128xf32, #tpu.memory_space<vmem>>, %arg14: memref<64x144xf32, #tpu.memory_space<vmem>>, %arg15: memref<10240x144xf32, #tpu.memory_space<vmem_shared>>, %arg16: memref<!tpu.dma_semaphore, #tpu.memory_space<semaphore_mem>>) attributes {dimension_semantics = [#tpu.dimension_semantics<core_parallel>, #tpu.dimension_semantics<subcore_parallel>], iteration_bounds = array<i64: 2, 16>, scalar_prefetch = 0 : i64, scratch_operands = 8 : i64, tpu.core_type = #tpu.core_type<sc_vector_subcore>, window_params = [{transform_indices = #map}, {transform_indices = #map}, {transform_indices = #map}, {transform_indices = #map1}, {transform_indices = #map1}, {transform_indices = #map}, {transform_indices = #map}]} {
    %mul3A = arith.constant 2 : i32
    %mul3A_0 = arith.muli %arg1, %mul3A : i32
    %add3A = arith.addi %mul3A_0, %arg0 : i32
    %mul3A_1 = arith.constant 640 : i32
    %mul3A_2 = arith.muli %arg1, %mul3A_1 : i32
    %mul3A_3 = arith.constant 640 : i32
    %mul3A_4 = arith.muli %arg1, %mul3A_3 : i32
    "tpu.region"() ({
      %run_scoped3A = tpu.sem_alloc : memref<!tpu.dma_semaphore, #tpu.memory_space<semaphore_mem>>
      %dma_start3A = arith.constant 0 : i32
      %dma_start3A_26 = tpu.memref_slice %arg15[%mul3A_4, %dma_start3A] : memref<10240x144xf32, #tpu.memory_space<vmem_shared>> -> memref<640x144xf32, #tpu.memory_space<vmem_shared>>
      %dma_start3A_27 = arith.constant 0 : i32
      %dma_start3A_28 = tpu.memref_slice %arg7[%mul3A_2, %dma_start3A_27] : memref<10240x144xf32, #tpu.memory_space<hbm>> -> memref<640x144xf32, #tpu.memory_space<hbm>>
      tpu.enqueue_dma source(%dma_start3A_28 : memref<640x144xf32, #tpu.memory_space<hbm>>) target(%dma_start3A_26 : memref<640x144xf32, #tpu.memory_space<vmem_shared>>) target_semaphore(%run_scoped3A : memref<!tpu.dma_semaphore, #tpu.memory_space<semaphore_mem>>)
      %dma_wait3A = arith.constant 0 : i32
      %dma_wait3A_29 = tpu.memref_slice %arg15[%mul3A_4, %dma_wait3A] : memref<10240x144xf32, #tpu.memory_space<vmem_shared>> -> memref<640x144xf32, #tpu.memory_space<vmem_shared>>
      %dma_wait3A_30 = arith.constant 0 : i32
      %dma_wait3A_31 = tpu.memref_slice %arg7[%mul3A_2, %dma_wait3A_30] : memref<10240x144xf32, #tpu.memory_space<hbm>> -> memref<640x144xf32, #tpu.memory_space<hbm>>
      tpu.wait_dma2 semaphore(%run_scoped3A : memref<!tpu.dma_semaphore, #tpu.memory_space<semaphore_mem>>) src(%dma_wait3A_31 : memref<640x144xf32, #tpu.memory_space<hbm>>) dst(%dma_wait3A_29 : memref<640x144xf32, #tpu.memory_space<vmem_shared>>)
      tpu.yield
    }) : () -> ()
    %barrier3A = arith.constant 0 : index
    tpu.barrier barrier_id(%barrier3A)
    %iota3A = tpu.iota {dimensions = array<i32: 0>} : vector<16xi32>
    %lt3A = arith.constant 8 : i32
    %lt3A_5 = arith.cmpi slt, %add3A, %lt3A : i32
    %jit3A = arith.constant 1 : i32
    %jit3A_6 = arith.constant 0 : i32
    %select_n3A = arith.select %lt3A_5, %jit3A, %jit3A_6 : i32
    %add3A_7 = arith.constant 156 : i32
    %add3A_8 = arith.addi %add3A_7, %select_n3A : i32
    %while3A = arith.constant 0 : i32
    %while3A_9 = arith.constant 0 : i32
    %while3A_10 = arith.subi %add3A_8, %while3A_9 : i32
    %while3A_11 = arith.addi %while3A_9, %while3A_10 : i32
    %while3A_12 = arith.constant 1 : i32
    %while3A_13 = arith.divsi %while3A_10, %while3A_12 : i32
    %while3A_14 = arith.muli %while3A_13, %while3A_12 : i32
    %while3A_15 = arith.addi %while3A_9, %while3A_14 : i32
    %while3A_16 = arith.constant 1 : i32
    scf.for %while3A_26 = %while3A_9 to %while3A_15 step %while3A_16  : i32 {
      %mul3A_27 = arith.constant 32 : i32
      %mul3A_28 = arith.muli %while3A_26, %mul3A_27 : i32
      %add3A_29 = arith.addi %mul3A_28, %add3A : i32
      %mul3A_30 = arith.constant 64 : i32
      %mul3A_31 = arith.muli %add3A_29, %mul3A_30 : i32
      "tpu.region"() ({
        %run_scoped3A = tpu.sem_alloc : memref<!tpu.dma_semaphore, #tpu.memory_space<semaphore_mem>>
        %dma_start3A_53 = tpu.memref_slice %arg5[%mul3A_31] : memref<320000xi32, #tpu.memory_space<hbm>> -> memref<64xi32, #tpu.memory_space<hbm>>
        %dma_start3A_54 = tpu.memref_slice %arg5[%mul3A_31] : memref<320000xi32, #tpu.memory_space<hbm>> -> memref<64xi32, #tpu.memory_space<hbm>>
        tpu.enqueue_dma source(%dma_start3A_54 : memref<64xi32, #tpu.memory_space<hbm>>) target(%arg9 : memref<64xi32, #tpu.memory_space<vmem>>) target_semaphore(%run_scoped3A : memref<!tpu.dma_semaphore, #tpu.memory_space<semaphore_mem>>)
        %dma_wait3A_55 = tpu.memref_slice %arg5[%mul3A_31] : memref<320000xi32, #tpu.memory_space<hbm>> -> memref<64xi32, #tpu.memory_space<hbm>>
        %dma_wait3A_56 = tpu.memref_slice %arg5[%mul3A_31] : memref<320000xi32, #tpu.memory_space<hbm>> -> memref<64xi32, #tpu.memory_space<hbm>>
        tpu.wait_dma2 semaphore(%run_scoped3A : memref<!tpu.dma_semaphore, #tpu.memory_space<semaphore_mem>>) src(%dma_wait3A_56 : memref<64xi32, #tpu.memory_space<hbm>>) dst(%arg9 : memref<64xi32, #tpu.memory_space<vmem>>)
        tpu.yield
      }) : () -> ()
      "tpu.region"() ({
        %run_scoped3A = tpu.sem_alloc : memref<!tpu.dma_semaphore, #tpu.memory_space<semaphore_mem>>
        %dma_start3A_53 = tpu.memref_slice %arg6[%mul3A_31] : memref<320000xi32, #tpu.memory_space<hbm>> -> memref<64xi32, #tpu.memory_space<hbm>>
        %dma_start3A_54 = tpu.memref_slice %arg6[%mul3A_31] : memref<320000xi32, #tpu.memory_space<hbm>> -> memref<64xi32, #tpu.memory_space<hbm>>
        tpu.enqueue_dma source(%dma_start3A_54 : memref<64xi32, #tpu.memory_space<hbm>>) target(%arg10 : memref<64xi32, #tpu.memory_space<vmem>>) target_semaphore(%run_scoped3A : memref<!tpu.dma_semaphore, #tpu.memory_space<semaphore_mem>>)
        %dma_wait3A_55 = tpu.memref_slice %arg6[%mul3A_31] : memref<320000xi32, #tpu.memory_space<hbm>> -> memref<64xi32, #tpu.memory_space<hbm>>
        %dma_wait3A_56 = tpu.memref_slice %arg6[%mul3A_31] : memref<320000xi32, #tpu.memory_space<hbm>> -> memref<64xi32, #tpu.memory_space<hbm>>
        tpu.wait_dma2 semaphore(%run_scoped3A : memref<!tpu.dma_semaphore, #tpu.memory_space<semaphore_mem>>) src(%dma_wait3A_56 : memref<64xi32, #tpu.memory_space<hbm>>) dst(%arg10 : memref<64xi32, #tpu.memory_space<vmem>>)
        tpu.yield
      }) : () -> ()
      %dma_start3A = arith.constant 0 : i32
      %dma_start3A_32 = arith.constant 0 : i32
      %dma_start3A_33 = tpu.memref_slice %arg2[%dma_start3A, %dma_start3A_32] : memref<10000x128xf32, #tpu.memory_space<hbm>> -> memref<10000x128xf32, #tpu.memory_space<hbm>>
      tpu.enqueue_indirect_dma source(%dma_start3A_33 : memref<10000x128xf32, #tpu.memory_space<hbm>>) target(%arg11 : memref<64x128xf32, #tpu.memory_space<vmem>>) offsets(%arg10 : memref<64xi32, #tpu.memory_space<vmem>>) semaphore(%arg16 : memref<!tpu.dma_semaphore, #tpu.memory_space<semaphore_mem>>)
      %dma_start3A_34 = arith.constant 0 : i32
      %dma_start3A_35 = arith.constant 0 : i32
      %dma_start3A_36 = tpu.memref_slice %arg3[%dma_start3A_34, %dma_start3A_35] : memref<10000x128xf32, #tpu.memory_space<hbm>> -> memref<10000x128xf32, #tpu.memory_space<hbm>>
      tpu.enqueue_indirect_dma source(%dma_start3A_36 : memref<10000x128xf32, #tpu.memory_space<hbm>>) target(%arg12 : memref<64x128xf32, #tpu.memory_space<vmem>>) offsets(%arg9 : memref<64xi32, #tpu.memory_space<vmem>>) semaphore(%arg16 : memref<!tpu.dma_semaphore, #tpu.memory_space<semaphore_mem>>)
      %dma_start3A_37 = arith.constant 0 : i32
      %dma_start3A_38 = arith.constant 0 : i32
      %dma_start3A_39 = tpu.memref_slice %arg4[%dma_start3A_37, %dma_start3A_38] : memref<10000x128xf32, #tpu.memory_space<hbm>> -> memref<10000x128xf32, #tpu.memory_space<hbm>>
      tpu.enqueue_indirect_dma source(%dma_start3A_39 : memref<10000x128xf32, #tpu.memory_space<hbm>>) target(%arg13 : memref<64x128xf32, #tpu.memory_space<vmem>>) offsets(%arg9 : memref<64xi32, #tpu.memory_space<vmem>>) semaphore(%arg16 : memref<!tpu.dma_semaphore, #tpu.memory_space<semaphore_mem>>)
      %dma_wait3A = arith.constant 0 : i32
      %dma_wait3A_40 = arith.constant 0 : i32
      %dma_wait3A_41 = tpu.memref_slice %arg2[%dma_wait3A, %dma_wait3A_40] : memref<10000x128xf32, #tpu.memory_space<hbm>> -> memref<10000x128xf32, #tpu.memory_space<hbm>>
      tpu.wait_indirect_dma semaphore(%arg16 : memref<!tpu.dma_semaphore, #tpu.memory_space<semaphore_mem>>) src(%dma_wait3A_41 : memref<10000x128xf32, #tpu.memory_space<hbm>>) dst(%arg11 : memref<64x128xf32, #tpu.memory_space<vmem>>)
      %dma_wait3A_42 = arith.constant 0 : i32
      %dma_wait3A_43 = arith.constant 0 : i32
      %dma_wait3A_44 = tpu.memref_slice %arg3[%dma_wait3A_42, %dma_wait3A_43] : memref<10000x128xf32, #tpu.memory_space<hbm>> -> memref<10000x128xf32, #tpu.memory_space<hbm>>
      tpu.wait_indirect_dma semaphore(%arg16 : memref<!tpu.dma_semaphore, #tpu.memory_space<semaphore_mem>>) src(%dma_wait3A_44 : memref<10000x128xf32, #tpu.memory_space<hbm>>) dst(%arg12 : memref<64x128xf32, #tpu.memory_space<vmem>>)
      %dma_wait3A_45 = arith.constant 0 : i32
      %dma_wait3A_46 = arith.constant 0 : i32
      %dma_wait3A_47 = tpu.memref_slice %arg4[%dma_wait3A_45, %dma_wait3A_46] : memref<10000x128xf32, #tpu.memory_space<hbm>> -> memref<10000x128xf32, #tpu.memory_space<hbm>>
      tpu.wait_indirect_dma semaphore(%arg16 : memref<!tpu.dma_semaphore, #tpu.memory_space<semaphore_mem>>) src(%dma_wait3A_47 : memref<10000x128xf32, #tpu.memory_space<hbm>>) dst(%arg13 : memref<64x128xf32, #tpu.memory_space<vmem>>)
      %scan3A = arith.constant 0 : i32
      %scan3A_48 = arith.constant 0 : i32
      %scan3A_49 = arith.constant 64 : i32
      %scan3A_50 = arith.addi %scan3A_48, %scan3A_49 : i32
      %scan3A_51 = arith.constant 1 : i32
      scf.for %scan3A_53 = %scan3A_48 to %scan3A_50 step %scan3A_51  : i32 {
        %broadcast_in_dim3A = arith.constant 0.000000e+00 : f32
        %broadcast_in_dim3A_54 = vector.broadcast %broadcast_in_dim3A : f32 to vector<16xf32>
        %get3A = arith.index_cast %scan3A_53 : i32 to index
        %get3A_55 = arith.constant 0 : index
        %get3A_56 = tpu.vector_load %arg11[%get3A, %get3A_55] {strides = array<i32>} : memref<64x128xf32, #tpu.memory_space<vmem>>, vector<16xf32>,
        %get3A_57 = arith.index_cast %scan3A_53 : i32 to index
        %get3A_58 = arith.constant 0 : index
        %get3A_59 = tpu.vector_load %arg12[%get3A_57, %get3A_58] {strides = array<i32>} : memref<64x128xf32, #tpu.memory_space<vmem>>, vector<16xf32>,
        %mul3A_60 = arith.mulf %get3A_56, %get3A_59 : vector<16xf32>
        %get3A_61 = arith.index_cast %scan3A_53 : i32 to index
        %get3A_62 = arith.constant 16 : index
        %get3A_63 = tpu.vector_load %arg11[%get3A_61, %get3A_62] {strides = array<i32>} : memref<64x128xf32, #tpu.memory_space<vmem>>, vector<16xf32>,
        %get3A_64 = arith.index_cast %scan3A_53 : i32 to index
        %get3A_65 = arith.constant 16 : index
        %get3A_66 = tpu.vector_load %arg12[%get3A_64, %get3A_65] {strides = array<i32>} : memref<64x128xf32, #tpu.memory_space<vmem>>, vector<16xf32>,
        %mul3A_67 = arith.mulf %get3A_63, %get3A_66 : vector<16xf32>
        %add3A_68 = arith.addf %mul3A_60, %mul3A_67 : vector<16xf32>
        %reduce_sum3A = arith.constant true
        %reduce_sum3A_69 = vector.broadcast %reduce_sum3A : i1 to vector<16xi1>
        %reduce_sum3A_70 = tpu.scan <sum>, %add3A_68 masked %reduce_sum3A_69 : vector<16xf32>, vector<16xi1> -> vector<16xf32>
        %reduce_sum3A_71 = vector.extract %reduce_sum3A_70[15] : f32 from vector<16xf32>
        %broadcast_in_dim3A_72 = vector.broadcast %reduce_sum3A_71 : f32 to vector<16xf32>
        %exp3A = math.exp %broadcast_in_dim3A_72 : vector<16xf32>
        %get3A_73 = arith.index_cast %scan3A_53 : i32 to index
        %get3A_74 = arith.constant 0 : index
        %get3A_75 = tpu.vector_load %arg13[%get3A_73, %get3A_74] {strides = array<i32>} : memref<64x128xf32, #tpu.memory_space<vmem>>, vector<16xf32>,
        %mul3A_76 = arith.mulf %get3A_75, %exp3A : vector<16xf32>
        %swap3A = arith.index_cast %scan3A_53 : i32 to index
        %swap3A_77 = arith.constant 0 : index
        %swap3A_78 = tpu.vector_load %arg14[%swap3A, %swap3A_77] {strides = array<i32>} : memref<64x144xf32, #tpu.memory_space<vmem>>, vector<16xf32>,
        tpu.vector_store %arg14[%swap3A, %swap3A_77], %mul3A_76 {strides = array<i32>} : memref<64x144xf32, #tpu.memory_space<vmem>>, vector<16xf32>,
        %get3A_79 = arith.index_cast %scan3A_53 : i32 to index
        %get3A_80 = arith.constant 16 : index
        %get3A_81 = tpu.vector_load %arg13[%get3A_79, %get3A_80] {strides = array<i32>} : memref<64x128xf32, #tpu.memory_space<vmem>>, vector<16xf32>,
        %mul3A_82 = arith.mulf %get3A_81, %exp3A : vector<16xf32>
        %swap3A_83 = arith.index_cast %scan3A_53 : i32 to index
        %swap3A_84 = arith.constant 16 : index
        %swap3A_85 = tpu.vector_load %arg14[%swap3A_83, %swap3A_84] {strides = array<i32>} : memref<64x144xf32, #tpu.memory_space<vmem>>, vector<16xf32>,
        tpu.vector_store %arg14[%swap3A_83, %swap3A_84], %mul3A_82 {strides = array<i32>} : memref<64x144xf32, #tpu.memory_space<vmem>>, vector<16xf32>,
        %add3A_86 = arith.addf %broadcast_in_dim3A_54, %exp3A : vector<16xf32>
        %get3A_87 = arith.index_cast %scan3A_53 : i32 to index
        %get3A_88 = arith.constant 32 : index
        %get3A_89 = tpu.vector_load %arg11[%get3A_87, %get3A_88] {strides = array<i32>} : memref<64x128xf32, #tpu.memory_space<vmem>>, vector<16xf32>,
        %get3A_90 = arith.index_cast %scan3A_53 : i32 to index
        %get3A_91 = arith.constant 32 : index
        %get3A_92 = tpu.vector_load %arg12[%get3A_90, %get3A_91] {strides = array<i32>} : memref<64x128xf32, #tpu.memory_space<vmem>>, vector<16xf32>,
        %mul3A_93 = arith.mulf %get3A_89, %get3A_92 : vector<16xf32>
        %get3A_94 = arith.index_cast %scan3A_53 : i32 to index
        %get3A_95 = arith.constant 48 : index
        %get3A_96 = tpu.vector_load %arg11[%get3A_94, %get3A_95] {strides = array<i32>} : memref<64x128xf32, #tpu.memory_space<vmem>>, vector<16xf32>,
        %get3A_97 = arith.index_cast %scan3A_53 : i32 to index
        %get3A_98 = arith.constant 48 : index
        %get3A_99 = tpu.vector_load %arg12[%get3A_97, %get3A_98] {strides = array<i32>} : memref<64x128xf32, #tpu.memory_space<vmem>>, vector<16xf32>,
        %mul3A_100 = arith.mulf %get3A_96, %get3A_99 : vector<16xf32>
        %add3A_101 = arith.addf %mul3A_93, %mul3A_100 : vector<16xf32>
        %reduce_sum3A_102 = arith.constant true
        %reduce_sum3A_103 = vector.broadcast %reduce_sum3A_102 : i1 to vector<16xi1>
        %reduce_sum3A_104 = tpu.scan <sum>, %add3A_101 masked %reduce_sum3A_103 : vector<16xf32>, vector<16xi1> -> vector<16xf32>
        %reduce_sum3A_105 = vector.extract %reduce_sum3A_104[15] : f32 from vector<16xf32>
        %broadcast_in_dim3A_106 = vector.broadcast %reduce_sum3A_105 : f32 to vector<16xf32>
        %exp3A_107 = math.exp %broadcast_in_dim3A_106 : vector<16xf32>
        %get3A_108 = arith.index_cast %scan3A_53 : i32 to index
        %get3A_109 = arith.constant 32 : index
        %get3A_110 = tpu.vector_load %arg13[%get3A_108, %get3A_109] {strides = array<i32>} : memref<64x128xf32, #tpu.memory_space<vmem>>, vector<16xf32>,
        %mul3A_111 = arith.mulf %get3A_110, %exp3A_107 : vector<16xf32>
        %swap3A_112 = arith.index_cast %scan3A_53 : i32 to index
        %swap3A_113 = arith.constant 32 : index
        %swap3A_114 = tpu.vector_load %arg14[%swap3A_112, %swap3A_113] {strides = array<i32>} : memref<64x144xf32, #tpu.memory_space<vmem>>, vector<16xf32>,
        tpu.vector_store %arg14[%swap3A_112, %swap3A_113], %mul3A_111 {strides = array<i32>} : memref<64x144xf32, #tpu.memory_space<vmem>>, vector<16xf32>,
        %get3A_115 = arith.index_cast %scan3A_53 : i32 to index
        %get3A_116 = arith.constant 48 : index
        %get3A_117 = tpu.vector_load %arg13[%get3A_115, %get3A_116] {strides = array<i32>} : memref<64x128xf32, #tpu.memory_space<vmem>>, vector<16xf32>,
        %mul3A_118 = arith.mulf %get3A_117, %exp3A_107 : vector<16xf32>
        %swap3A_119 = arith.index_cast %scan3A_53 : i32 to index
        %swap3A_120 = arith.constant 48 : index
        %swap3A_121 = tpu.vector_load %arg14[%swap3A_119, %swap3A_120] {strides = array<i32>} : memref<64x144xf32, #tpu.memory_space<vmem>>, vector<16xf32>,
        tpu.vector_store %arg14[%swap3A_119, %swap3A_120], %mul3A_118 {strides = array<i32>} : memref<64x144xf32, #tpu.memory_space<vmem>>, vector<16xf32>,
        %add3A_122 = arith.addf %add3A_86, %exp3A_107 : vector<16xf32>
        %get3A_123 = arith.index_cast %scan3A_53 : i32 to index
        %get3A_124 = arith.constant 64 : index
        %get3A_125 = tpu.vector_load %arg11[%get3A_123, %get3A_124] {strides = array<i32>} : memref<64x128xf32, #tpu.memory_space<vmem>>, vector<16xf32>,
        %get3A_126 = arith.index_cast %scan3A_53 : i32 to index
        %get3A_127 = arith.constant 64 : index
        %get3A_128 = tpu.vector_load %arg12[%get3A_126, %get3A_127] {strides = array<i32>} : memref<64x128xf32, #tpu.memory_space<vmem>>, vector<16xf32>,
        %mul3A_129 = arith.mulf %get3A_125, %get3A_128 : vector<16xf32>
        %get3A_130 = arith.index_cast %scan3A_53 : i32 to index
        %get3A_131 = arith.constant 80 : index
        %get3A_132 = tpu.vector_load %arg11[%get3A_130, %get3A_131] {strides = array<i32>} : memref<64x128xf32, #tpu.memory_space<vmem>>, vector<16xf32>,
        %get3A_133 = arith.index_cast %scan3A_53 : i32 to index
        %get3A_134 = arith.constant 80 : index
        %get3A_135 = tpu.vector_load %arg12[%get3A_133, %get3A_134] {strides = array<i32>} : memref<64x128xf32, #tpu.memory_space<vmem>>, vector<16xf32>,
        %mul3A_136 = arith.mulf %get3A_132, %get3A_135 : vector<16xf32>
        %add3A_137 = arith.addf %mul3A_129, %mul3A_136 : vector<16xf32>
        %reduce_sum3A_138 = arith.constant true
        %reduce_sum3A_139 = vector.broadcast %reduce_sum3A_138 : i1 to vector<16xi1>
        %reduce_sum3A_140 = tpu.scan <sum>, %add3A_137 masked %reduce_sum3A_139 : vector<16xf32>, vector<16xi1> -> vector<16xf32>
        %reduce_sum3A_141 = vector.extract %reduce_sum3A_140[15] : f32 from vector<16xf32>
        %broadcast_in_dim3A_142 = vector.broadcast %reduce_sum3A_141 : f32 to vector<16xf32>
        %exp3A_143 = math.exp %broadcast_in_dim3A_142 : vector<16xf32>
        %get3A_144 = arith.index_cast %scan3A_53 : i32 to index
        %get3A_145 = arith.constant 64 : index
        %get3A_146 = tpu.vector_load %arg13[%get3A_144, %get3A_145] {strides = array<i32>} : memref<64x128xf32, #tpu.memory_space<vmem>>, vector<16xf32>,
        %mul3A_147 = arith.mulf %get3A_146, %exp3A_143 : vector<16xf32>
        %swap3A_148 = arith.index_cast %scan3A_53 : i32 to index
        %swap3A_149 = arith.constant 64 : index
        %swap3A_150 = tpu.vector_load %arg14[%swap3A_148, %swap3A_149] {strides = array<i32>} : memref<64x144xf32, #tpu.memory_space<vmem>>, vector<16xf32>,
        tpu.vector_store %arg14[%swap3A_148, %swap3A_149], %mul3A_147 {strides = array<i32>} : memref<64x144xf32, #tpu.memory_space<vmem>>, vector<16xf32>,
        %get3A_151 = arith.index_cast %scan3A_53 : i32 to index
        %get3A_152 = arith.constant 80 : index
        %get3A_153 = tpu.vector_load %arg13[%get3A_151, %get3A_152] {strides = array<i32>} : memref<64x128xf32, #tpu.memory_space<vmem>>, vector<16xf32>,
        %mul3A_154 = arith.mulf %get3A_153, %exp3A_143 : vector<16xf32>
        %swap3A_155 = arith.index_cast %scan3A_53 : i32 to index
        %swap3A_156 = arith.constant 80 : index
        %swap3A_157 = tpu.vector_load %arg14[%swap3A_155, %swap3A_156] {strides = array<i32>} : memref<64x144xf32, #tpu.memory_space<vmem>>, vector<16xf32>,
        tpu.vector_store %arg14[%swap3A_155, %swap3A_156], %mul3A_154 {strides = array<i32>} : memref<64x144xf32, #tpu.memory_space<vmem>>, vector<16xf32>,
        %add3A_158 = arith.addf %add3A_122, %exp3A_143 : vector<16xf32>
        %get3A_159 = arith.index_cast %scan3A_53 : i32 to index
        %get3A_160 = arith.constant 96 : index
        %get3A_161 = tpu.vector_load %arg11[%get3A_159, %get3A_160] {strides = array<i32>} : memref<64x128xf32, #tpu.memory_space<vmem>>, vector<16xf32>,
        %get3A_162 = arith.index_cast %scan3A_53 : i32 to index
        %get3A_163 = arith.constant 96 : index
        %get3A_164 = tpu.vector_load %arg12[%get3A_162, %get3A_163] {strides = array<i32>} : memref<64x128xf32, #tpu.memory_space<vmem>>, vector<16xf32>,
        %mul3A_165 = arith.mulf %get3A_161, %get3A_164 : vector<16xf32>
        %get3A_166 = arith.index_cast %scan3A_53 : i32 to index
        %get3A_167 = arith.constant 112 : index
        %get3A_168 = tpu.vector_load %arg11[%get3A_166, %get3A_167] {strides = array<i32>} : memref<64x128xf32, #tpu.memory_space<vmem>>, vector<16xf32>,
        %get3A_169 = arith.index_cast %scan3A_53 : i32 to index
        %get3A_170 = arith.constant 112 : index
        %get3A_171 = tpu.vector_load %arg12[%get3A_169, %get3A_170] {strides = array<i32>} : memref<64x128xf32, #tpu.memory_space<vmem>>, vector<16xf32>,
        %mul3A_172 = arith.mulf %get3A_168, %get3A_171 : vector<16xf32>
        %add3A_173 = arith.addf %mul3A_165, %mul3A_172 : vector<16xf32>
        %reduce_sum3A_174 = arith.constant true
        %reduce_sum3A_175 = vector.broadcast %reduce_sum3A_174 : i1 to vector<16xi1>
        %reduce_sum3A_176 = tpu.scan <sum>, %add3A_173 masked %reduce_sum3A_175 : vector<16xf32>, vector<16xi1> -> vector<16xf32>
        %reduce_sum3A_177 = vector.extract %reduce_sum3A_176[15] : f32 from vector<16xf32>
        %broadcast_in_dim3A_178 = vector.broadcast %reduce_sum3A_177 : f32 to vector<16xf32>
        %exp3A_179 = math.exp %broadcast_in_dim3A_178 : vector<16xf32>
        %get3A_180 = arith.index_cast %scan3A_53 : i32 to index
        %get3A_181 = arith.constant 96 : index
        %get3A_182 = tpu.vector_load %arg13[%get3A_180, %get3A_181] {strides = array<i32>} : memref<64x128xf32, #tpu.memory_space<vmem>>, vector<16xf32>,
        %mul3A_183 = arith.mulf %get3A_182, %exp3A_179 : vector<16xf32>
        %swap3A_184 = arith.index_cast %scan3A_53 : i32 to index
        %swap3A_185 = arith.constant 96 : index
        %swap3A_186 = tpu.vector_load %arg14[%swap3A_184, %swap3A_185] {strides = array<i32>} : memref<64x144xf32, #tpu.memory_space<vmem>>, vector<16xf32>,
        tpu.vector_store %arg14[%swap3A_184, %swap3A_185], %mul3A_183 {strides = array<i32>} : memref<64x144xf32, #tpu.memory_space<vmem>>, vector<16xf32>,
        %get3A_187 = arith.index_cast %scan3A_53 : i32 to index
        %get3A_188 = arith.constant 112 : index
        %get3A_189 = tpu.vector_load %arg13[%get3A_187, %get3A_188] {strides = array<i32>} : memref<64x128xf32, #tpu.memory_space<vmem>>, vector<16xf32>,
        %mul3A_190 = arith.mulf %get3A_189, %exp3A_179 : vector<16xf32>
        %swap3A_191 = arith.index_cast %scan3A_53 : i32 to index
        %swap3A_192 = arith.constant 112 : index
        %swap3A_193 = tpu.vector_load %arg14[%swap3A_191, %swap3A_192] {strides = array<i32>} : memref<64x144xf32, #tpu.memory_space<vmem>>, vector<16xf32>,
        tpu.vector_store %arg14[%swap3A_191, %swap3A_192], %mul3A_190 {strides = array<i32>} : memref<64x144xf32, #tpu.memory_space<vmem>>, vector<16xf32>,
        %add3A_194 = arith.addf %add3A_158, %exp3A_179 : vector<16xf32>
        %eq3A = arith.constant 0 : i32
        %eq3A_195 = vector.broadcast %eq3A : i32 to vector<16xi32>
        %eq3A_196 = arith.cmpi eq, %iota3A, %eq3A_195 : vector<16xi32>
        %jit3A_197 = arith.constant 0.000000e+00 : f32
        %broadcast_in_dim3A_198 = vector.broadcast %jit3A_197 : f32 to vector<16xf32>
        %select_n3A_199 = arith.select %eq3A_196, %add3A_194, %broadcast_in_dim3A_198 : vector<16xi1>, vector<16xf32>
        %swap3A_200 = arith.index_cast %scan3A_53 : i32 to index
        %swap3A_201 = arith.constant 128 : index
        %swap3A_202 = tpu.vector_load %arg14[%swap3A_200, %swap3A_201] {strides = array<i32>} : memref<64x144xf32, #tpu.memory_space<vmem>>, vector<16xf32>,
        tpu.vector_store %arg14[%swap3A_200, %swap3A_201], %select_n3A_199 {strides = array<i32>} : memref<64x144xf32, #tpu.memory_space<vmem>>, vector<16xf32>,
      }
      %scan3A_52 = arith.constant 64 : i32
      "tpu.region"() ({
        %run_scoped3A = tpu.sem_alloc : memref<!tpu.dma_semaphore, #tpu.memory_space<semaphore_mem>>
        %dma_start3A_53 = arith.constant 0 : i32
        %dma_start3A_54 = arith.constant 0 : i32
        %dma_start3A_55 = tpu.memref_slice %arg15[%dma_start3A_53, %dma_start3A_54] : memref<10240x144xf32, #tpu.memory_space<vmem_shared>> -> memref<10240x144xf32, #tpu.memory_space<vmem_shared>>
        tpu.enqueue_indirect_dma source(%arg14 : memref<64x144xf32, #tpu.memory_space<vmem>>) target(%dma_start3A_55 : memref<10240x144xf32, #tpu.memory_space<vmem_shared>>) offsets(%arg10 : memref<64xi32, #tpu.memory_space<vmem>>) semaphore(%run_scoped3A : memref<!tpu.dma_semaphore, #tpu.memory_space<semaphore_mem>>) {add = true}
        %dma_wait3A_56 = arith.constant 0 : i32
        %dma_wait3A_57 = arith.constant 0 : i32
        %dma_wait3A_58 = tpu.memref_slice %arg15[%dma_wait3A_56, %dma_wait3A_57] : memref<10240x144xf32, #tpu.memory_space<vmem_shared>> -> memref<10240x144xf32, #tpu.memory_space<vmem_shared>>
        tpu.wait_indirect_dma semaphore(%run_scoped3A : memref<!tpu.dma_semaphore, #tpu.memory_space<semaphore_mem>>) src(%arg14 : memref<64x144xf32, #tpu.memory_space<vmem>>) dst(%dma_wait3A_58 : memref<10240x144xf32, #tpu.memory_space<vmem_shared>>)
        tpu.yield
      }) : () -> ()
    }
    %while3A_17 = arith.constant 1 : i32
    scf.for %while3A_26 = %while3A_15 to %while3A_11 step %while3A_17  : i32 {
      %mul3A_27 = arith.constant 32 : i32
      %mul3A_28 = arith.muli %while3A_26, %mul3A_27 : i32
      %add3A_29 = arith.addi %mul3A_28, %add3A : i32
      %mul3A_30 = arith.constant 64 : i32
      %mul3A_31 = arith.muli %add3A_29, %mul3A_30 : i32
      "tpu.region"() ({
        %run_scoped3A = tpu.sem_alloc : memref<!tpu.dma_semaphore, #tpu.memory_space<semaphore_mem>>
        %dma_start3A_53 = tpu.memref_slice %arg5[%mul3A_31] : memref<320000xi32, #tpu.memory_space<hbm>> -> memref<64xi32, #tpu.memory_space<hbm>>
        %dma_start3A_54 = tpu.memref_slice %arg5[%mul3A_31] : memref<320000xi32, #tpu.memory_space<hbm>> -> memref<64xi32, #tpu.memory_space<hbm>>
        tpu.enqueue_dma source(%dma_start3A_54 : memref<64xi32, #tpu.memory_space<hbm>>) target(%arg9 : memref<64xi32, #tpu.memory_space<vmem>>) target_semaphore(%run_scoped3A : memref<!tpu.dma_semaphore, #tpu.memory_space<semaphore_mem>>)
        %dma_wait3A_55 = tpu.memref_slice %arg5[%mul3A_31] : memref<320000xi32, #tpu.memory_space<hbm>> -> memref<64xi32, #tpu.memory_space<hbm>>
        %dma_wait3A_56 = tpu.memref_slice %arg5[%mul3A_31] : memref<320000xi32, #tpu.memory_space<hbm>> -> memref<64xi32, #tpu.memory_space<hbm>>
        tpu.wait_dma2 semaphore(%run_scoped3A : memref<!tpu.dma_semaphore, #tpu.memory_space<semaphore_mem>>) src(%dma_wait3A_56 : memref<64xi32, #tpu.memory_space<hbm>>) dst(%arg9 : memref<64xi32, #tpu.memory_space<vmem>>)
        tpu.yield
      }) : () -> ()
      "tpu.region"() ({
        %run_scoped3A = tpu.sem_alloc : memref<!tpu.dma_semaphore, #tpu.memory_space<semaphore_mem>>
        %dma_start3A_53 = tpu.memref_slice %arg6[%mul3A_31] : memref<320000xi32, #tpu.memory_space<hbm>> -> memref<64xi32, #tpu.memory_space<hbm>>
        %dma_start3A_54 = tpu.memref_slice %arg6[%mul3A_31] : memref<320000xi32, #tpu.memory_space<hbm>> -> memref<64xi32, #tpu.memory_space<hbm>>
        tpu.enqueue_dma source(%dma_start3A_54 : memref<64xi32, #tpu.memory_space<hbm>>) target(%arg10 : memref<64xi32, #tpu.memory_space<vmem>>) target_semaphore(%run_scoped3A : memref<!tpu.dma_semaphore, #tpu.memory_space<semaphore_mem>>)
        %dma_wait3A_55 = tpu.memref_slice %arg6[%mul3A_31] : memref<320000xi32, #tpu.memory_space<hbm>> -> memref<64xi32, #tpu.memory_space<hbm>>
        %dma_wait3A_56 = tpu.memref_slice %arg6[%mul3A_31] : memref<320000xi32, #tpu.memory_space<hbm>> -> memref<64xi32, #tpu.memory_space<hbm>>
        tpu.wait_dma2 semaphore(%run_scoped3A : memref<!tpu.dma_semaphore, #tpu.memory_space<semaphore_mem>>) src(%dma_wait3A_56 : memref<64xi32, #tpu.memory_space<hbm>>) dst(%arg10 : memref<64xi32, #tpu.memory_space<vmem>>)
        tpu.yield
      }) : () -> ()
      %dma_start3A = arith.constant 0 : i32
      %dma_start3A_32 = arith.constant 0 : i32
      %dma_start3A_33 = tpu.memref_slice %arg2[%dma_start3A, %dma_start3A_32] : memref<10000x128xf32, #tpu.memory_space<hbm>> -> memref<10000x128xf32, #tpu.memory_space<hbm>>
      tpu.enqueue_indirect_dma source(%dma_start3A_33 : memref<10000x128xf32, #tpu.memory_space<hbm>>) target(%arg11 : memref<64x128xf32, #tpu.memory_space<vmem>>) offsets(%arg10 : memref<64xi32, #tpu.memory_space<vmem>>) semaphore(%arg16 : memref<!tpu.dma_semaphore, #tpu.memory_space<semaphore_mem>>)
      %dma_start3A_34 = arith.constant 0 : i32
      %dma_start3A_35 = arith.constant 0 : i32
      %dma_start3A_36 = tpu.memref_slice %arg3[%dma_start3A_34, %dma_start3A_35] : memref<10000x128xf32, #tpu.memory_space<hbm>> -> memref<10000x128xf32, #tpu.memory_space<hbm>>
      tpu.enqueue_indirect_dma source(%dma_start3A_36 : memref<10000x128xf32, #tpu.memory_space<hbm>>) target(%arg12 : memref<64x128xf32, #tpu.memory_space<vmem>>) offsets(%arg9 : memref<64xi32, #tpu.memory_space<vmem>>) semaphore(%arg16 : memref<!tpu.dma_semaphore, #tpu.memory_space<semaphore_mem>>)
      %dma_start3A_37 = arith.constant 0 : i32
      %dma_start3A_38 = arith.constant 0 : i32
      %dma_start3A_39 = tpu.memref_slice %arg4[%dma_start3A_37, %dma_start3A_38] : memref<10000x128xf32, #tpu.memory_space<hbm>> -> memref<10000x128xf32, #tpu.memory_space<hbm>>
      tpu.enqueue_indirect_dma source(%dma_start3A_39 : memref<10000x128xf32, #tpu.memory_space<hbm>>) target(%arg13 : memref<64x128xf32, #tpu.memory_space<vmem>>) offsets(%arg9 : memref<64xi32, #tpu.memory_space<vmem>>) semaphore(%arg16 : memref<!tpu.dma_semaphore, #tpu.memory_space<semaphore_mem>>)
      %dma_wait3A = arith.constant 0 : i32
      %dma_wait3A_40 = arith.constant 0 : i32
      %dma_wait3A_41 = tpu.memref_slice %arg2[%dma_wait3A, %dma_wait3A_40] : memref<10000x128xf32, #tpu.memory_space<hbm>> -> memref<10000x128xf32, #tpu.memory_space<hbm>>
      tpu.wait_indirect_dma semaphore(%arg16 : memref<!tpu.dma_semaphore, #tpu.memory_space<semaphore_mem>>) src(%dma_wait3A_41 : memref<10000x128xf32, #tpu.memory_space<hbm>>) dst(%arg11 : memref<64x128xf32, #tpu.memory_space<vmem>>)
      %dma_wait3A_42 = arith.constant 0 : i32
      %dma_wait3A_43 = arith.constant 0 : i32
      %dma_wait3A_44 = tpu.memref_slice %arg3[%dma_wait3A_42, %dma_wait3A_43] : memref<10000x128xf32, #tpu.memory_space<hbm>> -> memref<10000x128xf32, #tpu.memory_space<hbm>>
      tpu.wait_indirect_dma semaphore(%arg16 : memref<!tpu.dma_semaphore, #tpu.memory_space<semaphore_mem>>) src(%dma_wait3A_44 : memref<10000x128xf32, #tpu.memory_space<hbm>>) dst(%arg12 : memref<64x128xf32, #tpu.memory_space<vmem>>)
      %dma_wait3A_45 = arith.constant 0 : i32
      %dma_wait3A_46 = arith.constant 0 : i32
      %dma_wait3A_47 = tpu.memref_slice %arg4[%dma_wait3A_45, %dma_wait3A_46] : memref<10000x128xf32, #tpu.memory_space<hbm>> -> memref<10000x128xf32, #tpu.memory_space<hbm>>
      tpu.wait_indirect_dma semaphore(%arg16 : memref<!tpu.dma_semaphore, #tpu.memory_space<semaphore_mem>>) src(%dma_wait3A_47 : memref<10000x128xf32, #tpu.memory_space<hbm>>) dst(%arg13 : memref<64x128xf32, #tpu.memory_space<vmem>>)
      %scan3A = arith.constant 0 : i32
      %scan3A_48 = arith.constant 0 : i32
      %scan3A_49 = arith.constant 64 : i32
      %scan3A_50 = arith.addi %scan3A_48, %scan3A_49 : i32
      %scan3A_51 = arith.constant 1 : i32
      scf.for %scan3A_53 = %scan3A_48 to %scan3A_50 step %scan3A_51  : i32 {
        %broadcast_in_dim3A = arith.constant 0.000000e+00 : f32
        %broadcast_in_dim3A_54 = vector.broadcast %broadcast_in_dim3A : f32 to vector<16xf32>
        %get3A = arith.index_cast %scan3A_53 : i32 to index
        %get3A_55 = arith.constant 0 : index
        %get3A_56 = tpu.vector_load %arg11[%get3A, %get3A_55] {strides = array<i32>} : memref<64x128xf32, #tpu.memory_space<vmem>>, vector<16xf32>,
        %get3A_57 = arith.index_cast %scan3A_53 : i32 to index
        %get3A_58 = arith.constant 0 : index
        %get3A_59 = tpu.vector_load %arg12[%get3A_57, %get3A_58] {strides = array<i32>} : memref<64x128xf32, #tpu.memory_space<vmem>>, vector<16xf32>,
        %mul3A_60 = arith.mulf %get3A_56, %get3A_59 : vector<16xf32>
        %get3A_61 = arith.index_cast %scan3A_53 : i32 to index
        %get3A_62 = arith.constant 16 : index
        %get3A_63 = tpu.vector_load %arg11[%get3A_61, %get3A_62] {strides = array<i32>} : memref<64x128xf32, #tpu.memory_space<vmem>>, vector<16xf32>,
        %get3A_64 = arith.index_cast %scan3A_53 : i32 to index
        %get3A_65 = arith.constant 16 : index
        %get3A_66 = tpu.vector_load %arg12[%get3A_64, %get3A_65] {strides = array<i32>} : memref<64x128xf32, #tpu.memory_space<vmem>>, vector<16xf32>,
        %mul3A_67 = arith.mulf %get3A_63, %get3A_66 : vector<16xf32>
        %add3A_68 = arith.addf %mul3A_60, %mul3A_67 : vector<16xf32>
        %reduce_sum3A = arith.constant true
        %reduce_sum3A_69 = vector.broadcast %reduce_sum3A : i1 to vector<16xi1>
        %reduce_sum3A_70 = tpu.scan <sum>, %add3A_68 masked %reduce_sum3A_69 : vector<16xf32>, vector<16xi1> -> vector<16xf32>
        %reduce_sum3A_71 = vector.extract %reduce_sum3A_70[15] : f32 from vector<16xf32>
        %broadcast_in_dim3A_72 = vector.broadcast %reduce_sum3A_71 : f32 to vector<16xf32>
        %exp3A = math.exp %broadcast_in_dim3A_72 : vector<16xf32>
        %get3A_73 = arith.index_cast %scan3A_53 : i32 to index
        %get3A_74 = arith.constant 0 : index
        %get3A_75 = tpu.vector_load %arg13[%get3A_73, %get3A_74] {strides = array<i32>} : memref<64x128xf32, #tpu.memory_space<vmem>>, vector<16xf32>,
        %mul3A_76 = arith.mulf %get3A_75, %exp3A : vector<16xf32>
        %swap3A = arith.index_cast %scan3A_53 : i32 to index
        %swap3A_77 = arith.constant 0 : index
        %swap3A_78 = tpu.vector_load %arg14[%swap3A, %swap3A_77] {strides = array<i32>} : memref<64x144xf32, #tpu.memory_space<vmem>>, vector<16xf32>,
        tpu.vector_store %arg14[%swap3A, %swap3A_77], %mul3A_76 {strides = array<i32>} : memref<64x144xf32, #tpu.memory_space<vmem>>, vector<16xf32>,
        %get3A_79 = arith.index_cast %scan3A_53 : i32 to index
        %get3A_80 = arith.constant 16 : index
        %get3A_81 = tpu.vector_load %arg13[%get3A_79, %get3A_80] {strides = array<i32>} : memref<64x128xf32, #tpu.memory_space<vmem>>, vector<16xf32>,
        %mul3A_82 = arith.mulf %get3A_81, %exp3A : vector<16xf32>
        %swap3A_83 = arith.index_cast %scan3A_53 : i32 to index
        %swap3A_84 = arith.constant 16 : index
        %swap3A_85 = tpu.vector_load %arg14[%swap3A_83, %swap3A_84] {strides = array<i32>} : memref<64x144xf32, #tpu.memory_space<vmem>>, vector<16xf32>,
        tpu.vector_store %arg14[%swap3A_83, %swap3A_84], %mul3A_82 {strides = array<i32>} : memref<64x144xf32, #tpu.memory_space<vmem>>, vector<16xf32>,
        %add3A_86 = arith.addf %broadcast_in_dim3A_54, %exp3A : vector<16xf32>
        %get3A_87 = arith.index_cast %scan3A_53 : i32 to index
        %get3A_88 = arith.constant 32 : index
        %get3A_89 = tpu.vector_load %arg11[%get3A_87, %get3A_88] {strides = array<i32>} : memref<64x128xf32, #tpu.memory_space<vmem>>, vector<16xf32>,
        %get3A_90 = arith.index_cast %scan3A_53 : i32 to index
        %get3A_91 = arith.constant 32 : index
        %get3A_92 = tpu.vector_load %arg12[%get3A_90, %get3A_91] {strides = array<i32>} : memref<64x128xf32, #tpu.memory_space<vmem>>, vector<16xf32>,
        %mul3A_93 = arith.mulf %get3A_89, %get3A_92 : vector<16xf32>
        %get3A_94 = arith.index_cast %scan3A_53 : i32 to index
        %get3A_95 = arith.constant 48 : index
        %get3A_96 = tpu.vector_load %arg11[%get3A_94, %get3A_95] {strides = array<i32>} : memref<64x128xf32, #tpu.memory_space<vmem>>, vector<16xf32>,
        %get3A_97 = arith.index_cast %scan3A_53 : i32 to index
        %get3A_98 = arith.constant 48 : index
        %get3A_99 = tpu.vector_load %arg12[%get3A_97, %get3A_98] {strides = array<i32>} : memref<64x128xf32, #tpu.memory_space<vmem>>, vector<16xf32>,
        %mul3A_100 = arith.mulf %get3A_96, %get3A_99 : vector<16xf32>
        %add3A_101 = arith.addf %mul3A_93, %mul3A_100 : vector<16xf32>
        %reduce_sum3A_102 = arith.constant true
        %reduce_sum3A_103 = vector.broadcast %reduce_sum3A_102 : i1 to vector<16xi1>
        %reduce_sum3A_104 = tpu.scan <sum>, %add3A_101 masked %reduce_sum3A_103 : vector<16xf32>, vector<16xi1> -> vector<16xf32>
        %reduce_sum3A_105 = vector.extract %reduce_sum3A_104[15] : f32 from vector<16xf32>
        %broadcast_in_dim3A_106 = vector.broadcast %reduce_sum3A_105 : f32 to vector<16xf32>
        %exp3A_107 = math.exp %broadcast_in_dim3A_106 : vector<16xf32>
        %get3A_108 = arith.index_cast %scan3A_53 : i32 to index
        %get3A_109 = arith.constant 32 : index
        %get3A_110 = tpu.vector_load %arg13[%get3A_108, %get3A_109] {strides = array<i32>} : memref<64x128xf32, #tpu.memory_space<vmem>>, vector<16xf32>,
        %mul3A_111 = arith.mulf %get3A_110, %exp3A_107 : vector<16xf32>
        %swap3A_112 = arith.index_cast %scan3A_53 : i32 to index
        %swap3A_113 = arith.constant 32 : index
        %swap3A_114 = tpu.vector_load %arg14[%swap3A_112, %swap3A_113] {strides = array<i32>} : memref<64x144xf32, #tpu.memory_space<vmem>>, vector<16xf32>,
        tpu.vector_store %arg14[%swap3A_112, %swap3A_113], %mul3A_111 {strides = array<i32>} : memref<64x144xf32, #tpu.memory_space<vmem>>, vector<16xf32>,
        %get3A_115 = arith.index_cast %scan3A_53 : i32 to index
        %get3A_116 = arith.constant 48 : index
        %get3A_117 = tpu.vector_load %arg13[%get3A_115, %get3A_116] {strides = array<i32>} : memref<64x128xf32, #tpu.memory_space<vmem>>, vector<16xf32>,
        %mul3A_118 = arith.mulf %get3A_117, %exp3A_107 : vector<16xf32>
        %swap3A_119 = arith.index_cast %scan3A_53 : i32 to index
        %swap3A_120 = arith.constant 48 : index
        %swap3A_121 = tpu.vector_load %arg14[%swap3A_119, %swap3A_120] {strides = array<i32>} : memref<64x144xf32, #tpu.memory_space<vmem>>, vector<16xf32>,
        tpu.vector_store %arg14[%swap3A_119, %swap3A_120], %mul3A_118 {strides = array<i32>} : memref<64x144xf32, #tpu.memory_space<vmem>>, vector<16xf32>,
        %add3A_122 = arith.addf %add3A_86, %exp3A_107 : vector<16xf32>
        %get3A_123 = arith.index_cast %scan3A_53 : i32 to index
        %get3A_124 = arith.constant 64 : index
        %get3A_125 = tpu.vector_load %arg11[%get3A_123, %get3A_124] {strides = array<i32>} : memref<64x128xf32, #tpu.memory_space<vmem>>, vector<16xf32>,
        %get3A_126 = arith.index_cast %scan3A_53 : i32 to index
        %get3A_127 = arith.constant 64 : index
        %get3A_128 = tpu.vector_load %arg12[%get3A_126, %get3A_127] {strides = array<i32>} : memref<64x128xf32, #tpu.memory_space<vmem>>, vector<16xf32>,
        %mul3A_129 = arith.mulf %get3A_125, %get3A_128 : vector<16xf32>
        %get3A_130 = arith.index_cast %scan3A_53 : i32 to index
        %get3A_131 = arith.constant 80 : index
        %get3A_132 = tpu.vector_load %arg11[%get3A_130, %get3A_131] {strides = array<i32>} : memref<64x128xf32, #tpu.memory_space<vmem>>, vector<16xf32>,
        %get3A_133 = arith.index_cast %scan3A_53 : i32 to index
        %get3A_134 = arith.constant 80 : index
        %get3A_135 = tpu.vector_load %arg12[%get3A_133, %get3A_134] {strides = array<i32>} : memref<64x128xf32, #tpu.memory_space<vmem>>, vector<16xf32>,
        %mul3A_136 = arith.mulf %get3A_132, %get3A_135 : vector<16xf32>
        %add3A_137 = arith.addf %mul3A_129, %mul3A_136 : vector<16xf32>
        %reduce_sum3A_138 = arith.constant true
        %reduce_sum3A_139 = vector.broadcast %reduce_sum3A_138 : i1 to vector<16xi1>
        %reduce_sum3A_140 = tpu.scan <sum>, %add3A_137 masked %reduce_sum3A_139 : vector<16xf32>, vector<16xi1> -> vector<16xf32>
        %reduce_sum3A_141 = vector.extract %reduce_sum3A_140[15] : f32 from vector<16xf32>
        %broadcast_in_dim3A_142 = vector.broadcast %reduce_sum3A_141 : f32 to vector<16xf32>
        %exp3A_143 = math.exp %broadcast_in_dim3A_142 : vector<16xf32>
        %get3A_144 = arith.index_cast %scan3A_53 : i32 to index
        %get3A_145 = arith.constant 64 : index
        %get3A_146 = tpu.vector_load %arg13[%get3A_144, %get3A_145] {strides = array<i32>} : memref<64x128xf32, #tpu.memory_space<vmem>>, vector<16xf32>,
        %mul3A_147 = arith.mulf %get3A_146, %exp3A_143 : vector<16xf32>
        %swap3A_148 = arith.index_cast %scan3A_53 : i32 to index
        %swap3A_149 = arith.constant 64 : index
        %swap3A_150 = tpu.vector_load %arg14[%swap3A_148, %swap3A_149] {strides = array<i32>} : memref<64x144xf32, #tpu.memory_space<vmem>>, vector<16xf32>,
        tpu.vector_store %arg14[%swap3A_148, %swap3A_149], %mul3A_147 {strides = array<i32>} : memref<64x144xf32, #tpu.memory_space<vmem>>, vector<16xf32>,
        %get3A_151 = arith.index_cast %scan3A_53 : i32 to index
        %get3A_152 = arith.constant 80 : index
        %get3A_153 = tpu.vector_load %arg13[%get3A_151, %get3A_152] {strides = array<i32>} : memref<64x128xf32, #tpu.memory_space<vmem>>, vector<16xf32>,
        %mul3A_154 = arith.mulf %get3A_153, %exp3A_143 : vector<16xf32>
        %swap3A_155 = arith.index_cast %scan3A_53 : i32 to index
        %swap3A_156 = arith.constant 80 : index
        %swap3A_157 = tpu.vector_load %arg14[%swap3A_155, %swap3A_156] {strides = array<i32>} : memref<64x144xf32, #tpu.memory_space<vmem>>, vector<16xf32>,
        tpu.vector_store %arg14[%swap3A_155, %swap3A_156], %mul3A_154 {strides = array<i32>} : memref<64x144xf32, #tpu.memory_space<vmem>>, vector<16xf32>,
        %add3A_158 = arith.addf %add3A_122, %exp3A_143 : vector<16xf32>
        %get3A_159 = arith.index_cast %scan3A_53 : i32 to index
        %get3A_160 = arith.constant 96 : index
        %get3A_161 = tpu.vector_load %arg11[%get3A_159, %get3A_160] {strides = array<i32>} : memref<64x128xf32, #tpu.memory_space<vmem>>, vector<16xf32>,
        %get3A_162 = arith.index_cast %scan3A_53 : i32 to index
        %get3A_163 = arith.constant 96 : index
        %get3A_164 = tpu.vector_load %arg12[%get3A_162, %get3A_163] {strides = array<i32>} : memref<64x128xf32, #tpu.memory_space<vmem>>, vector<16xf32>,
        %mul3A_165 = arith.mulf %get3A_161, %get3A_164 : vector<16xf32>
        %get3A_166 = arith.index_cast %scan3A_53 : i32 to index
        %get3A_167 = arith.constant 112 : index
        %get3A_168 = tpu.vector_load %arg11[%get3A_166, %get3A_167] {strides = array<i32>} : memref<64x128xf32, #tpu.memory_space<vmem>>, vector<16xf32>,
        %get3A_169 = arith.index_cast %scan3A_53 : i32 to index
        %get3A_170 = arith.constant 112 : index
        %get3A_171 = tpu.vector_load %arg12[%get3A_169, %get3A_170] {strides = array<i32>} : memref<64x128xf32, #tpu.memory_space<vmem>>, vector<16xf32>,
        %mul3A_172 = arith.mulf %get3A_168, %get3A_171 : vector<16xf32>
        %add3A_173 = arith.addf %mul3A_165, %mul3A_172 : vector<16xf32>
        %reduce_sum3A_174 = arith.constant true
        %reduce_sum3A_175 = vector.broadcast %reduce_sum3A_174 : i1 to vector<16xi1>
        %reduce_sum3A_176 = tpu.scan <sum>, %add3A_173 masked %reduce_sum3A_175 : vector<16xf32>, vector<16xi1> -> vector<16xf32>
        %reduce_sum3A_177 = vector.extract %reduce_sum3A_176[15] : f32 from vector<16xf32>
        %broadcast_in_dim3A_178 = vector.broadcast %reduce_sum3A_177 : f32 to vector<16xf32>
        %exp3A_179 = math.exp %broadcast_in_dim3A_178 : vector<16xf32>
        %get3A_180 = arith.index_cast %scan3A_53 : i32 to index
        %get3A_181 = arith.constant 96 : index
        %get3A_182 = tpu.vector_load %arg13[%get3A_180, %get3A_181] {strides = array<i32>} : memref<64x128xf32, #tpu.memory_space<vmem>>, vector<16xf32>,
        %mul3A_183 = arith.mulf %get3A_182, %exp3A_179 : vector<16xf32>
        %swap3A_184 = arith.index_cast %scan3A_53 : i32 to index
        %swap3A_185 = arith.constant 96 : index
        %swap3A_186 = tpu.vector_load %arg14[%swap3A_184, %swap3A_185] {strides = array<i32>} : memref<64x144xf32, #tpu.memory_space<vmem>>, vector<16xf32>,
        tpu.vector_store %arg14[%swap3A_184, %swap3A_185], %mul3A_183 {strides = array<i32>} : memref<64x144xf32, #tpu.memory_space<vmem>>, vector<16xf32>,
        %get3A_187 = arith.index_cast %scan3A_53 : i32 to index
        %get3A_188 = arith.constant 112 : index
        %get3A_189 = tpu.vector_load %arg13[%get3A_187, %get3A_188] {strides = array<i32>} : memref<64x128xf32, #tpu.memory_space<vmem>>, vector<16xf32>,
        %mul3A_190 = arith.mulf %get3A_189, %exp3A_179 : vector<16xf32>
        %swap3A_191 = arith.index_cast %scan3A_53 : i32 to index
        %swap3A_192 = arith.constant 112 : index
        %swap3A_193 = tpu.vector_load %arg14[%swap3A_191, %swap3A_192] {strides = array<i32>} : memref<64x144xf32, #tpu.memory_space<vmem>>, vector<16xf32>,
        tpu.vector_store %arg14[%swap3A_191, %swap3A_192], %mul3A_190 {strides = array<i32>} : memref<64x144xf32, #tpu.memory_space<vmem>>, vector<16xf32>,
        %add3A_194 = arith.addf %add3A_158, %exp3A_179 : vector<16xf32>
        %eq3A = arith.constant 0 : i32
        %eq3A_195 = vector.broadcast %eq3A : i32 to vector<16xi32>
        %eq3A_196 = arith.cmpi eq, %iota3A, %eq3A_195 : vector<16xi32>
        %jit3A_197 = arith.constant 0.000000e+00 : f32
        %broadcast_in_dim3A_198 = vector.broadcast %jit3A_197 : f32 to vector<16xf32>
        %select_n3A_199 = arith.select %eq3A_196, %add3A_194, %broadcast_in_dim3A_198 : vector<16xi1>, vector<16xf32>
        %swap3A_200 = arith.index_cast %scan3A_53 : i32 to index
        %swap3A_201 = arith.constant 128 : index
        %swap3A_202 = tpu.vector_load %arg14[%swap3A_200, %swap3A_201] {strides = array<i32>} : memref<64x144xf32, #tpu.memory_space<vmem>>, vector<16xf32>,
        tpu.vector_store %arg14[%swap3A_200, %swap3A_201], %select_n3A_199 {strides = array<i32>} : memref<64x144xf32, #tpu.memory_space<vmem>>, vector<16xf32>,
      }
      %scan3A_52 = arith.constant 64 : i32
      "tpu.region"() ({
        %run_scoped3A = tpu.sem_alloc : memref<!tpu.dma_semaphore, #tpu.memory_space<semaphore_mem>>
        %dma_start3A_53 = arith.constant 0 : i32
        %dma_start3A_54 = arith.constant 0 : i32
        %dma_start3A_55 = tpu.memref_slice %arg15[%dma_start3A_53, %dma_start3A_54] : memref<10240x144xf32, #tpu.memory_space<vmem_shared>> -> memref<10240x144xf32, #tpu.memory_space<vmem_shared>>
        tpu.enqueue_indirect_dma source(%arg14 : memref<64x144xf32, #tpu.memory_space<vmem>>) target(%dma_start3A_55 : memref<10240x144xf32, #tpu.memory_space<vmem_shared>>) offsets(%arg10 : memref<64xi32, #tpu.memory_space<vmem>>) semaphore(%run_scoped3A : memref<!tpu.dma_semaphore, #tpu.memory_space<semaphore_mem>>) {add = true}
        %dma_wait3A_56 = arith.constant 0 : i32
        %dma_wait3A_57 = arith.constant 0 : i32
        %dma_wait3A_58 = tpu.memref_slice %arg15[%dma_wait3A_56, %dma_wait3A_57] : memref<10240x144xf32, #tpu.memory_space<vmem_shared>> -> memref<10240x144xf32, #tpu.memory_space<vmem_shared>>
        tpu.wait_indirect_dma semaphore(%run_scoped3A : memref<!tpu.dma_semaphore, #tpu.memory_space<semaphore_mem>>) src(%arg14 : memref<64x144xf32, #tpu.memory_space<vmem>>) dst(%dma_wait3A_58 : memref<10240x144xf32, #tpu.memory_space<vmem_shared>>)
        tpu.yield
      }) : () -> ()
    }
    %barrier3A_18 = arith.constant 0 : index
    tpu.barrier barrier_id(%barrier3A_18)
    %mul3A_19 = arith.constant 640 : i32
    %mul3A_20 = arith.muli %arg1, %mul3A_19 : i32
    %mul3A_21 = arith.constant 10240 : i32
    %mul3A_22 = arith.muli %arg0, %mul3A_21 : i32
    %mul3A_23 = arith.constant 640 : i32
    %mul3A_24 = arith.muli %arg1, %mul3A_23 : i32
    %add3A_25 = arith.addi %mul3A_22, %mul3A_24 : i32
    "tpu.region"() ({
      %run_scoped3A = tpu.sem_alloc : memref<!tpu.dma_semaphore, #tpu.memory_space<semaphore_mem>>
      %dma_start3A = arith.constant 0 : i32
      %dma_start3A_26 = tpu.memref_slice %arg8[%add3A_25, %dma_start3A] : memref<20480x144xf32, #tpu.memory_space<hbm>> -> memref<640x144xf32, #tpu.memory_space<hbm>>
      %dma_start3A_27 = arith.constant 0 : i32
      %dma_start3A_28 = tpu.memref_slice %arg15[%mul3A_20, %dma_start3A_27] : memref<10240x144xf32, #tpu.memory_space<vmem_shared>> -> memref<640x144xf32, #tpu.memory_space<vmem_shared>>
      tpu.enqueue_dma source(%dma_start3A_28 : memref<640x144xf32, #tpu.memory_space<vmem_shared>>) target(%dma_start3A_26 : memref<640x144xf32, #tpu.memory_space<hbm>>) target_semaphore(%run_scoped3A : memref<!tpu.dma_semaphore, #tpu.memory_space<semaphore_mem>>)
      %dma_wait3A = arith.constant 0 : i32
      %dma_wait3A_29 = tpu.memref_slice %arg8[%add3A_25, %dma_wait3A] : memref<20480x144xf32, #tpu.memory_space<hbm>> -> memref<640x144xf32, #tpu.memory_space<hbm>>
      %dma_wait3A_30 = arith.constant 0 : i32
      %dma_wait3A_31 = tpu.memref_slice %arg15[%mul3A_20, %dma_wait3A_30] : memref<10240x144xf32, #tpu.memory_space<vmem_shared>> -> memref<640x144xf32, #tpu.memory_space<vmem_shared>>
      tpu.wait_dma2 semaphore(%run_scoped3A : memref<!tpu.dma_semaphore, #tpu.memory_space<semaphore_mem>>) src(%dma_wait3A_31 : memref<640x144xf32, #tpu.memory_space<vmem_shared>>) dst(%dma_wait3A_29 : memref<640x144xf32, #tpu.memory_space<hbm>>)
      tpu.yield
    }) : () -> ()
    return
  }
}

module attributes {stable_mosaic.version = 14 : i64} {
  func.func @_pre_body(%arg0: i32, %arg1: memref<1000x128xf32, #tpu.memory_space<vmem>>, %arg2: memref<128x128xf32, #tpu.memory_space<vmem>>, %arg3: memref<1x128xf32, #tpu.memory_space<vmem>>, %arg4: memref<128x128xf32, #tpu.memory_space<vmem>>, %arg5: memref<128x128xf32, #tpu.memory_space<vmem>>, %arg6: memref<1000x128xf32, #tpu.memory_space<vmem>>, %arg7: memref<1000x128xf32, #tpu.memory_space<vmem>>, %arg8: memref<1000x128xf32, #tpu.memory_space<vmem>>) attributes {dimension_semantics = [#tpu.dimension_semantics<arbitrary>], iteration_bounds = array<i64: 10>, scalar_prefetch = 0 : i64, scratch_operands = 0 : i64, tpu.core_type = #tpu.core_type<tc>, window_params = [{transform_indices = @transform_0, window_bounds = array<i64: 1000, 128>}, {pipeline_mode = #tpu.pipeline_mode<synchronous>, transform_indices = @transform_1, window_bounds = array<i64: 128, 128>}, {pipeline_mode = #tpu.pipeline_mode<synchronous>, transform_indices = @transform_2, window_bounds = array<i64: 1, 128>}, {pipeline_mode = #tpu.pipeline_mode<synchronous>, transform_indices = @transform_3, window_bounds = array<i64: 128, 128>}, {pipeline_mode = #tpu.pipeline_mode<synchronous>, transform_indices = @transform_4, window_bounds = array<i64: 128, 128>}, {transform_indices = @transform_5, window_bounds = array<i64: 1000, 128>}, {transform_indices = @transform_6, window_bounds = array<i64: 1000, 128>}, {transform_indices = @transform_7, window_bounds = array<i64: 1000, 128>}]} {
    %get3A = arith.constant 0 : index
    %get3A_0 = arith.constant 0 : index
    %get3A_1 = vector.load %arg1[%get3A, %get3A_0] : memref<1000x128xf32, #tpu.memory_space<vmem>>, vector<1000x128xf32>
    %get3A_2 = arith.constant 0 : index
    %get3A_3 = arith.constant 0 : index
    %get3A_4 = vector.load %arg2[%get3A_2, %get3A_3] : memref<128x128xf32, #tpu.memory_space<vmem>>, vector<128x128xf32>
    %dot_general3A = arith.constant dense<0.000000e+00> : vector<1000x128xf32>
    %dot_general3A_5 = tpu.matmul %get3A_1, %get3A_4, %dot_general3A {dimension_numbers = #tpu.dot_dimension_numbers<[1], [0], [0], [1], [0, 0, 1, 1], [], []>, transpose_lhs_hint = false} : vector<1000x128xf32>, vector<128x128xf32>, vector<1000x128xf32> -> vector<1000x128xf32>
    %get3A_6 = arith.constant 0 : index
    %get3A_7 = arith.constant 0 : index
    %get3A_8 = vector.load %arg3[%get3A_6, %get3A_7] : memref<1x128xf32, #tpu.memory_space<vmem>>, vector<1x128xf32>
    %add3A = vector.broadcast %get3A_8 : vector<1x128xf32> to vector<1000x128xf32>
    %add3A_9 = arith.addf %dot_general3A_5, %add3A : vector<1000x128xf32>
    %swap3A = arith.constant 0 : index
    %swap3A_10 = arith.constant 0 : index
    %swap3A_11 = vector.load %arg6[%swap3A, %swap3A_10] : memref<1000x128xf32, #tpu.memory_space<vmem>>, vector<1000x128xf32>
    tpu.vector_store %arg6[%swap3A, %swap3A_10], %add3A_9 {strides = array<i32>} : memref<1000x128xf32, #tpu.memory_space<vmem>>, vector<1000x128xf32>,
    %get3A_12 = arith.constant 0 : index
    %get3A_13 = arith.constant 0 : index
    %get3A_14 = vector.load %arg4[%get3A_12, %get3A_13] : memref<128x128xf32, #tpu.memory_space<vmem>>, vector<128x128xf32>
    %dot_general3A_15 = arith.constant dense<0.000000e+00> : vector<1000x128xf32>
    %dot_general3A_16 = tpu.matmul %add3A_9, %get3A_14, %dot_general3A_15 {dimension_numbers = #tpu.dot_dimension_numbers<[1], [0], [0], [1], [0, 0, 1, 1], [], []>, transpose_lhs_hint = false} : vector<1000x128xf32>, vector<128x128xf32>, vector<1000x128xf32> -> vector<1000x128xf32>
    %mul3A = arith.constant 0.176776692 : f32
    %mul3A_17 = vector.broadcast %mul3A : f32 to vector<1000x128xf32>
    %mul3A_18 = arith.mulf %dot_general3A_16, %mul3A_17 : vector<1000x128xf32>
    %swap3A_19 = arith.constant 0 : index
    %swap3A_20 = arith.constant 0 : index
    %swap3A_21 = vector.load %arg7[%swap3A_19, %swap3A_20] : memref<1000x128xf32, #tpu.memory_space<vmem>>, vector<1000x128xf32>
    tpu.vector_store %arg7[%swap3A_19, %swap3A_20], %mul3A_18 {strides = array<i32>} : memref<1000x128xf32, #tpu.memory_space<vmem>>, vector<1000x128xf32>,
    %get3A_22 = arith.constant 0 : index
    %get3A_23 = arith.constant 0 : index
    %get3A_24 = vector.load %arg5[%get3A_22, %get3A_23] : memref<128x128xf32, #tpu.memory_space<vmem>>, vector<128x128xf32>
    %dot_general3A_25 = arith.constant dense<0.000000e+00> : vector<1000x128xf32>
    %dot_general3A_26 = tpu.matmul %add3A_9, %get3A_24, %dot_general3A_25 {dimension_numbers = #tpu.dot_dimension_numbers<[1], [0], [0], [1], [0, 0, 1, 1], [], []>, transpose_lhs_hint = false} : vector<1000x128xf32>, vector<128x128xf32>, vector<1000x128xf32> -> vector<1000x128xf32>
    %swap3A_27 = arith.constant 0 : index
    %swap3A_28 = arith.constant 0 : index
    %swap3A_29 = vector.load %arg8[%swap3A_27, %swap3A_28] : memref<1000x128xf32, #tpu.memory_space<vmem>>, vector<1000x128xf32>
    tpu.vector_store %arg8[%swap3A_27, %swap3A_28], %dot_general3A_26 {strides = array<i32>} : memref<1000x128xf32, #tpu.memory_space<vmem>>, vector<1000x128xf32>,
    return
  }
  func.func @transform_0(%arg0: i32) -> (i32, i32) {
    %c0_i32 = arith.constant 0 : i32
    %c0_i32_0 = arith.constant 0 : i32
    return %arg0, %c0_i32 : i32, i32
  }
  func.func @transform_1(%arg0: i32) -> (i32, i32) {
    %c0_i32 = arith.constant 0 : i32
    %c0_i32_0 = arith.constant 0 : i32
    %c0_i32_1 = arith.constant 0 : i32
    return %c0_i32, %c0_i32_0 : i32, i32
  }
  func.func @transform_2(%arg0: i32) -> (i32, i32) {
    %c0_i32 = arith.constant 0 : i32
    %c0_i32_0 = arith.constant 0 : i32
    %c0_i32_1 = arith.constant 0 : i32
    return %c0_i32, %c0_i32_0 : i32, i32
  }
  func.func @transform_3(%arg0: i32) -> (i32, i32) {
    %c0_i32 = arith.constant 0 : i32
    %c0_i32_0 = arith.constant 0 : i32
    %c0_i32_1 = arith.constant 0 : i32
    return %c0_i32, %c0_i32_0 : i32, i32
  }
  func.func @transform_4(%arg0: i32) -> (i32, i32) {
    %c0_i32 = arith.constant 0 : i32
    %c0_i32_0 = arith.constant 0 : i32
    %c0_i32_1 = arith.constant 0 : i32
    return %c0_i32, %c0_i32_0 : i32, i32
  }
  func.func @transform_5(%arg0: i32) -> (i32, i32) {
    %c0_i32 = arith.constant 0 : i32
    %c0_i32_0 = arith.constant 0 : i32
    return %arg0, %c0_i32 : i32, i32
  }
  func.func @transform_6(%arg0: i32) -> (i32, i32) {
    %c0_i32 = arith.constant 0 : i32
    %c0_i32_0 = arith.constant 0 : i32
    return %arg0, %c0_i32 : i32, i32
  }
  func.func @transform_7(%arg0: i32) -> (i32, i32) {
    %c0_i32 = arith.constant 0 : i32
    %c0_i32_0 = arith.constant 0 : i32
    return %arg0, %c0_i32 : i32, i32
  }
}

module attributes {stable_mosaic.version = 14 : i64} {
  func.func @_post_body(%arg0: i32, %arg1: memref<1000x128xf32, #tpu.memory_space<vmem>>, %arg2: memref<2x1000x144xf32, #tpu.memory_space<vmem>>, %arg3: memref<128x128xf32, #tpu.memory_space<vmem>>, %arg4: memref<1x128xf32, #tpu.memory_space<vmem>>, %arg5: memref<1x128xf32, #tpu.memory_space<vmem>>, %arg6: memref<1x128xf32, #tpu.memory_space<vmem>>, %arg7: memref<1000x128xf32, #tpu.memory_space<vmem>>) attributes {dimension_semantics = [#tpu.dimension_semantics<arbitrary>], iteration_bounds = array<i64: 10>, scalar_prefetch = 0 : i64, scratch_operands = 0 : i64, tpu.core_type = #tpu.core_type<tc>, window_params = [{transform_indices = @transform_0, window_bounds = array<i64: 1000, 128>}, {transform_indices = @transform_1, window_bounds = array<i64: 2, 1000, 144>}, {pipeline_mode = #tpu.pipeline_mode<synchronous>, transform_indices = @transform_2, window_bounds = array<i64: 128, 128>}, {pipeline_mode = #tpu.pipeline_mode<synchronous>, transform_indices = @transform_3, window_bounds = array<i64: 1, 128>}, {pipeline_mode = #tpu.pipeline_mode<synchronous>, transform_indices = @transform_4, window_bounds = array<i64: 1, 128>}, {pipeline_mode = #tpu.pipeline_mode<synchronous>, transform_indices = @transform_5, window_bounds = array<i64: 1, 128>}, {transform_indices = @transform_6, window_bounds = array<i64: 1000, 128>}]} {
    %get3A = arith.constant 0 : index
    %get3A_0 = arith.constant 0 : index
    %get3A_1 = arith.constant 0 : index
    %get3A_2 = vector.load %arg2[%get3A, %get3A_0, %get3A_1] : memref<2x1000x144xf32, #tpu.memory_space<vmem>>, vector<1x1000x144xf32>
    %get3A_3 = vector.shape_cast %get3A_2 : vector<1x1000x144xf32> to vector<1000x144xf32>
    %get3A_4 = arith.constant 1 : index
    %get3A_5 = arith.constant 0 : index
    %get3A_6 = arith.constant 0 : index
    %get3A_7 = vector.load %arg2[%get3A_4, %get3A_5, %get3A_6] : memref<2x1000x144xf32, #tpu.memory_space<vmem>>, vector<1x1000x144xf32>
    %get3A_8 = vector.shape_cast %get3A_7 : vector<1x1000x144xf32> to vector<1000x144xf32>
    %add3A = arith.addf %get3A_3, %get3A_8 : vector<1000x144xf32>
    %slice3A = vector.extract_strided_slice %add3A {offsets = [0, 0], sizes = [1000, 128], strides = [1, 1]} : vector<1000x144xf32> to vector<1000x128xf32>
    %slice3A_9 = vector.extract_strided_slice %add3A {offsets = [0, 128], sizes = [1000, 1], strides = [1, 1]} : vector<1000x144xf32> to vector<1000x1xf32>
    %gt3A = arith.constant 0.000000e+00 : f32
    %gt3A_10 = vector.broadcast %gt3A : f32 to vector<1000x1xf32>
    %gt3A_11 = arith.cmpf ogt, %slice3A_9, %gt3A_10 : vector<1000x1xf32>
    %div3A = vector.broadcast %slice3A_9 : vector<1000x1xf32> to vector<1000x128xf32>
    %div3A_12 = arith.divf %slice3A, %div3A : vector<1000x128xf32>
    %jit3A = arith.constant 0.000000e+00 : f32
    %broadcast_in_dim3A = vector.shape_cast %gt3A_11 : vector<1000x1xi1> to vector<1000x1xi1>
    %broadcast_in_dim3A_13 = vector.broadcast %broadcast_in_dim3A : vector<1000x1xi1> to vector<1000x128xi1>
    %broadcast_in_dim3A_14 = vector.broadcast %jit3A : f32 to vector<1000x128xf32>
    %select_n3A = arith.select %broadcast_in_dim3A_13, %div3A_12, %broadcast_in_dim3A_14 : vector<1000x128xi1>, vector<1000x128xf32>
    %get3A_15 = arith.constant 0 : index
    %get3A_16 = arith.constant 0 : index
    %get3A_17 = vector.load %arg3[%get3A_15, %get3A_16] : memref<128x128xf32, #tpu.memory_space<vmem>>, vector<128x128xf32>
    %dot_general3A = arith.constant dense<0.000000e+00> : vector<1000x128xf32>
    %dot_general3A_18 = tpu.matmul %select_n3A, %get3A_17, %dot_general3A {dimension_numbers = #tpu.dot_dimension_numbers<[1], [0], [0], [1], [0, 0, 1, 1], [], []>, transpose_lhs_hint = false} : vector<1000x128xf32>, vector<128x128xf32>, vector<1000x128xf32> -> vector<1000x128xf32>
    %get3A_19 = arith.constant 0 : index
    %get3A_20 = arith.constant 0 : index
    %get3A_21 = vector.load %arg4[%get3A_19, %get3A_20] : memref<1x128xf32, #tpu.memory_space<vmem>>, vector<1x128xf32>
    %add3A_22 = vector.broadcast %get3A_21 : vector<1x128xf32> to vector<1000x128xf32>
    %add3A_23 = arith.addf %dot_general3A_18, %add3A_22 : vector<1000x128xf32>
    %get3A_24 = arith.constant 0 : index
    %get3A_25 = arith.constant 0 : index
    %get3A_26 = vector.load %arg1[%get3A_24, %get3A_25] : memref<1000x128xf32, #tpu.memory_space<vmem>>, vector<1000x128xf32>
    %add3A_27 = arith.addf %get3A_26, %add3A_23 : vector<1000x128xf32>
    %reduce_sum3A = arith.constant dense<0.000000e+00> : vector<1000xf32>
    %reduce_sum3A_28 = vector.multi_reduction <add>, %add3A_27, %reduce_sum3A [1] : vector<1000x128xf32> to vector<1000xf32>
    %broadcast_in_dim3A_29 = vector.shape_cast %reduce_sum3A_28 : vector<1000xf32> to vector<1000x1xf32>
    %div3A_30 = arith.constant 1.280000e+02 : f32
    %div3A_31 = vector.broadcast %div3A_30 : f32 to vector<1000x1xf32>
    %div3A_32 = arith.divf %broadcast_in_dim3A_29, %div3A_31 : vector<1000x1xf32>
    %sub3A = vector.broadcast %div3A_32 : vector<1000x1xf32> to vector<1000x128xf32>
    %sub3A_33 = arith.subf %add3A_27, %sub3A : vector<1000x128xf32>
    %integer_pow3A = arith.mulf %sub3A_33, %sub3A_33 : vector<1000x128xf32>
    %reduce_sum3A_34 = arith.constant dense<0.000000e+00> : vector<1000xf32>
    %reduce_sum3A_35 = vector.multi_reduction <add>, %integer_pow3A, %reduce_sum3A_34 [1] : vector<1000x128xf32> to vector<1000xf32>
    %broadcast_in_dim3A_36 = vector.shape_cast %reduce_sum3A_35 : vector<1000xf32> to vector<1000x1xf32>
    %div3A_37 = arith.constant 1.280000e+02 : f32
    %div3A_38 = vector.broadcast %div3A_37 : f32 to vector<1000x1xf32>
    %div3A_39 = arith.divf %broadcast_in_dim3A_36, %div3A_38 : vector<1000x1xf32>
    %sub3A_40 = vector.broadcast %div3A_32 : vector<1000x1xf32> to vector<1000x128xf32>
    %sub3A_41 = arith.subf %add3A_27, %sub3A_40 : vector<1000x128xf32>
    %add3A_42 = arith.constant 9.99999974E-6 : f32
    %add3A_43 = vector.broadcast %add3A_42 : f32 to vector<1000x1xf32>
    %add3A_44 = arith.addf %div3A_39, %add3A_43 : vector<1000x1xf32>
    %rsqrt3A = math.rsqrt %add3A_44 : vector<1000x1xf32>
    %mul3A = vector.broadcast %rsqrt3A : vector<1000x1xf32> to vector<1000x128xf32>
    %mul3A_45 = arith.mulf %sub3A_41, %mul3A : vector<1000x128xf32>
    %get3A_46 = arith.constant 0 : index
    %get3A_47 = arith.constant 0 : index
    %get3A_48 = vector.load %arg5[%get3A_46, %get3A_47] : memref<1x128xf32, #tpu.memory_space<vmem>>, vector<1x128xf32>
    %mul3A_49 = vector.broadcast %get3A_48 : vector<1x128xf32> to vector<1000x128xf32>
    %mul3A_50 = arith.mulf %mul3A_45, %mul3A_49 : vector<1000x128xf32>
    %get3A_51 = arith.constant 0 : index
    %get3A_52 = arith.constant 0 : index
    %get3A_53 = vector.load %arg6[%get3A_51, %get3A_52] : memref<1x128xf32, #tpu.memory_space<vmem>>, vector<1x128xf32>
    %add3A_54 = vector.broadcast %get3A_53 : vector<1x128xf32> to vector<1000x128xf32>
    %add3A_55 = arith.addf %mul3A_50, %add3A_54 : vector<1000x128xf32>
    %max3A = arith.constant 0.000000e+00 : f32
    %max3A_56 = vector.broadcast %max3A : f32 to vector<1000x128xf32>
    %max3A_57 = arith.maximumf %add3A_55, %max3A_56 : vector<1000x128xf32>
    %swap3A = arith.constant 0 : index
    %swap3A_58 = arith.constant 0 : index
    %swap3A_59 = vector.load %arg7[%swap3A, %swap3A_58] : memref<1000x128xf32, #tpu.memory_space<vmem>>, vector<1000x128xf32>
    tpu.vector_store %arg7[%swap3A, %swap3A_58], %max3A_57 {strides = array<i32>} : memref<1000x128xf32, #tpu.memory_space<vmem>>, vector<1000x128xf32>,
    return
  }
  func.func @transform_0(%arg0: i32) -> (i32, i32) {
    %c0_i32 = arith.constant 0 : i32
    %c0_i32_0 = arith.constant 0 : i32
    return %arg0, %c0_i32 : i32, i32
  }
  func.func @transform_1(%arg0: i32) -> (i32, i32, i32) {
    %c0_i32 = arith.constant 0 : i32
    %c0_i32_0 = arith.constant 0 : i32
    %c0_i32_1 = arith.constant 0 : i32
    return %c0_i32, %arg0, %c0_i32_0 : i32, i32, i32
  }
  func.func @transform_2(%arg0: i32) -> (i32, i32) {
    %c0_i32 = arith.constant 0 : i32
    %c0_i32_0 = arith.constant 0 : i32
    %c0_i32_1 = arith.constant 0 : i32
    return %c0_i32, %c0_i32_0 : i32, i32
  }
  func.func @transform_3(%arg0: i32) -> (i32, i32) {
    %c0_i32 = arith.constant 0 : i32
    %c0_i32_0 = arith.constant 0 : i32
    %c0_i32_1 = arith.constant 0 : i32
    return %c0_i32, %c0_i32_0 : i32, i32
  }
  func.func @transform_4(%arg0: i32) -> (i32, i32) {
    %c0_i32 = arith.constant 0 : i32
    %c0_i32_0 = arith.constant 0 : i32
    %c0_i32_1 = arith.constant 0 : i32
    return %c0_i32, %c0_i32_0 : i32, i32
  }
  func.func @transform_5(%arg0: i32) -> (i32, i32) {
    %c0_i32 = arith.constant 0 : i32
    %c0_i32_0 = arith.constant 0 : i32
    %c0_i32_1 = arith.constant 0 : i32
    return %c0_i32, %c0_i32_0 : i32, i32
  }
  func.func @transform_6(%arg0: i32) -> (i32, i32) {
    %c0_i32 = arith.constant 0 : i32
    %c0_i32_0 = arith.constant 0 : i32
    return %arg0, %c0_i32 : i32, i32
  }
}

</mosaic_0001>

<sc_bundles>
// kernel: kernel.5.cloned.1.call-start
scs
__scs_entry_jumppad:
0x0: {  	(pc) =	sbr.rel $0x88, $3  }
0x1: {  	(tag) =	ssettag $0x0;
	lr =	simm.s32 $0x1  }
0x2: {  	[smem:$0x3F97] =	sst lr;
	_ =	strace $0xD0000000  }
0x3: {  	_ = 	snop  }
0x4: {  	_ = 	snop  }
0x5: {  	_ = 	snop  }
0x6: {  	_ = 	snop  }
0x7: {  	_ = 	snop  }
__scs_overlays_trampoline_lowered:
0x8: {  	[smem:$0x3FA6] =	sst s0  }
0x9: {  	[smem:$0x3FA7] =	sst s1  }
0xa: {  	[smem:$0x3FA8] =	sst s2  }
0xb: {  	[smem:$0x3FA9] =	sst s3  }
0xc: {  	[smem:$0x3FAA] =	sst s4  }
0xd: {  	[smem:$0x3FAB] =	sst s5  }
0xe: {  	[smem:$0x3FAC] =	sst s6  }
0xf: {  	[smem:$0x3FAD] =	sst s7  }
0x10: {  	[smem:$0x3FAE] =	sst s8  }
0x11: {  	[smem:$0x3FAF] =	sst s9;
	s0 =	simm.s32 @!p0 $0x0  }
0x12: {  	s1 =	sld [smem:$0x3F95];
	s0 =	simm.s32 @p0 $0x1  }
0x13: {  	[smem:$0x3FB0] =	sst s0;
	s0 =	simm.s32 @!p1 $0x0  }
0x14: {  	s2 =	sld [smem:$0x3F94];
	s0 =	simm.s32 @p1 $0x1  }
0x15: {  	[smem:$0x3FB1] =	sst s0;
	s0 =	simm.s32 @!p2 $0x0  }
0x16: {  	s3 =	sld [smem:$0x3FDB];
	s0 =	simm.s32 @p2 $0x1  }
0x17: {  	s4 =	simm.s32 $0x1BF5;
	[smem:$0x3FB3] =	sst s0  }
0x18: {  	s0 =	sld [smem:$0x3F96];
	_ =	swait.ge [sflag:s4], $0x0  }
0x19: {  	s7 =	sld [smem:$0x3F97]  }
0x1a: {  	s8 =	sadd.s32 $0xFFFFE003, lr  }
0x1b: {  	s9 =	sadd.s32 $0xFFFFFEF7, lr;
	s5 =	simm.s32 $0xFFFFFFFF;
	p2 =	slt.u32 s8, $0xFFFFF086  }
0x1c: {  	p1 =	slt.u32 s9, $0xF7A;
	s5 =	simm.s32 @!p2 $0x0  }
0x1d: {  	s5 =	simm.s32 @p1 $0x1;
	p0 =	seq.s32 s7, s2  }
0x1e: {  	s7 =	smul.u32 @!p0 $0xF7A, s2;
	p2 =	seq.s32 @!p0 s5, $0x0  }
0x1f: {  	s9 =	smul.u32 $0xF7A, s1;
	s8 =	simm.s32 @!p0 $0x1BF5;
	p2 =	por !p2, p0  }
0x20: {  	[sflag:s8] =	ssyncset.s32 @!p0 $0xFFFFF086;
	s6 =	sadd.s32 @!p0 s3, s7;
	s7 =	simm.s32 @!p0 $0x108  }
0x21: {  	s3 =	sadd.s32 s3, s9;
	s6 =	sadd.s32 @!p0 $0x88, s6;
	s7 =	simm.s32 @p2 $0x1082  }
0x22: {  	[simem:s7], [sflag:s8] =	dma.local @!p0 [hbm:s6], $0xF7A  }
0x23: {  	s9 =	sor.u32 $0xD0000000, s2;
	s6 =	simm.s32 $0x108;
	_ =	swait.ge @!p0 [sflag:s8], $0x0  }
0x24: {  	s3 =	sadd.s32 $0x88, s3;
	s6 =	simm.s32 @!p1 $0x1082;
	[sflag:s4] =	ssyncset.s32 $0xFFFFF086  }
0x25: {  	[simem:s6], [sflag:s4] =	dma.local [hbm:s3], $0xF7A  }
0x26: {  	[smem:$0x3F97] =	sst s1;
	(tag) =	ssettag s2;
	_ =	strace s9  }
0x27: {  	s1 =	sld [smem:$0x3FA7]  }
0x28: {  	s2 =	sld [smem:$0x3FA8]  }
0x29: {  	s4 =	sld [smem:$0x3FAA]  }
0x2a: {  	p0 =	seq.s32 s5, $0x0;
	s5 =	sld [smem:$0x3FAB]  }
0x2b: {  	s6 =	sld [smem:$0x3FAC]  }
0x2c: {  	s7 =	sld [smem:$0x3FAD]  }
0x2d: {  	s3 =	simm.s32 $0x108;
	s8 =	sld [smem:$0x3FAE]  }
0x2e: {  	s3 =	simm.s32 @!p0 $0x1082;
	s9 =	sld [smem:$0x3FAF]  }
0x2f: {  	lr =	sadd.s32 s0, s3;
	s0 =	sld [smem:$0x3FA6]  }
0x30: {  	s3 =	sld [smem:$0x3FA9]  }
0x31: {  	[smem:$0x3FB2] =	sst s10  }
0x32: {  	s10 =	sld [smem:$0x3FB0];
	_ =	sdelay $0x3  }
0x33: {  	p0 =	seq.s32 s10, $0x1;
	s10 =	sld [smem:$0x3FB2];
	_ =	sdelay $0x3  }
0x34: {  	[smem:$0x3FB2] =	sst s10  }
0x35: {  	s10 =	sld [smem:$0x3FB1];
	_ =	sdelay $0x3  }
0x36: {  	p1 =	seq.s32 s10, $0x1;
	s10 =	sld [smem:$0x3FB2];
	_ =	sdelay $0x3  }
0x37: {  	[smem:$0x3FB2] =	sst s10  }
0x38: {  	s10 =	sld [smem:$0x3FB3]  }
0x39: {  	_ = 	snop;
	(pc) =	sbr.ind lr, $3  }
0x3a: {  	_ = 	snop  }
0x3b: {  	_ = 	snop  }
0x3c: {  	p2 =	seq.s32 s10, $0x1;
	s10 =	sld [smem:$0x3FB2]  }
0x3d: {  	_ =	shalt  }
0x3e: {  	_ =	shalt  }
0x3f: {  	_ =	shalt  }
0x40: {  	_ =	shalt  }
0x41: {  	_ =	shalt  }
0x42: {  	_ =	shalt  }
0x43: {  	_ =	shalt  }
0x44: {  	_ =	shalt  }
0x45: {  	_ =	shalt  }
0x46: {  	_ =	shalt  }
0x47: {  	_ =	shalt  }
0x48: {  	_ =	shalt  }
0x49: {  	_ =	shalt  }
0x4a: {  	_ =	shalt  }
0x4b: {  	_ =	shalt  }
0x4c: {  	_ =	shalt  }
0x4d: {  	_ =	shalt  }
0x4e: {  	_ =	shalt  }
0x4f: {  	_ =	shalt  }
0x50: {  	_ =	shalt  }
0x51: {  	_ =	shalt  }
0x52: {  	_ =	shalt  }
0x53: {  	_ =	shalt  }
0x54: {  	_ =	shalt  }
0x55: {  	_ =	shalt  }
0x56: {  	_ =	shalt  }
0x57: {  	_ =	shalt  }
0x58: {  	_ =	shalt  }
0x59: {  	_ =	shalt  }
0x5a: {  	_ =	shalt  }
0x5b: {  	_ =	shalt  }
0x5c: {  	_ =	shalt  }
0x5d: {  	_ =	shalt  }
0x5e: {  	_ =	shalt  }
0x5f: {  	_ =	shalt  }
0x60: {  	_ =	shalt  }
0x61: {  	_ =	shalt  }
0x62: {  	_ =	shalt  }
0x63: {  	_ =	shalt  }
0x64: {  	_ =	shalt  }
0x65: {  	_ =	shalt  }
0x66: {  	_ =	shalt  }
0x67: {  	_ =	shalt  }
0x68: {  	_ =	shalt  }
0x69: {  	_ =	shalt  }
0x6a: {  	_ =	shalt  }
0x6b: {  	_ =	shalt  }
0x6c: {  	_ =	shalt  }
0x6d: {  	_ =	shalt  }
0x6e: {  	_ =	shalt  }
0x6f: {  	_ =	shalt  }
0x70: {  	_ =	shalt  }
0x71: {  	_ =	shalt  }
0x72: {  	_ =	shalt  }
0x73: {  	_ =	shalt  }
0x74: {  	_ =	shalt  }
0x75: {  	_ =	shalt  }
0x76: {  	_ =	shalt  }
0x77: {  	_ =	shalt  }
0x78: {  	_ =	shalt  }
0x79: {  	_ =	shalt  }
0x7a: {  	_ =	shalt  }
0x7b: {  	_ =	shalt  }
0x7c: {  	_ =	shalt  }
0x7d: {  	_ =	shalt  }
0x7e: {  	_ =	shalt  }
0x7f: {  	_ =	shalt  }
0x80: {  	_ =	shalt  }
0x81: {  	_ =	shalt  }
0x82: {  	_ =	shalt  }
0x83: {  	_ =	shalt  }
0x84: {  	_ =	shalt  }
0x85: {  	_ =	shalt  }
0x86: {  	_ =	shalt  }
0x87: {  	_ =	shalt  }
.Lfunc_end0:
.L_simem_size_0:
called_computation_lowered:
.L_overlay_start_0:
0x88: {  	s2 =	sld [smem:$0x3FD9]  }
0x89: {  	s3 =	sld [smem:$0x3FFE];
	_ =	sdelay $0x1  }
0x8a: {  	s1 =	srdreg.scid  }
0x8b: {  	s0 =	sand.u32 $0x1, s1  }
0x8c: {  	s17 =	sshll.u32 s0, $0xA;
	s2 =	sadd.s32 s3, s2  }
0x8d: {  	s2 =	sadd.s32 s2, s17  }
0x8e: {  	[smem:$0x3FBE] =	sst s2  }
0x8f: {  	_ = 	snop  }
0x90: {  	s2 =	sld [smem:$0x3FD0];
	(tm) =	ssettm $0x1  }
0x91: {  	s18 =	sld [smem:$0x3FFB];
	_ =	sdelay $0x3  }
0x92: {  	_ =	strace s18  }
0x93: {  	s3 =	sld [smem:$0x3FFC];
	_ =	sdelay $0x3  }
0x94: {  	_ =	strace s3  }
0x95: {  	s3 =	sld [smem:$0x3FFD];
	_ =	sdelay $0x3  }
0x96: {  	_ =	strace s3  }
0x97: {  	_ =	strace $0x8FFFFFFF  }
0x98: {  	s19 =	sld [smem:$0x3FDB];
	_ =	sdelay $0x1  }
0x99: {  	s4 =	simm.s32 $_scs_section_size  }
0x9a: {  	s5 =	simm.s32 $_size__tile_overlayer_lowered;
	s6 =	simm.s32 $_tile_overlayer_lowered  }
0x9b: {  	s22 =	simm.s32 $0x1BFF;
	s21 =	sshll.u32 s6, $0x1;
	s3 =	sadd.s32 s4, s19  }
0x9c: {  	s7 =	simm.s32 $0x0;
	s20 =	sshll.u32 s5, $0x1;
	s5 =	sadd.s32 s21, s3  }
0x9d: {  	[timem:s7], [sflag:s22] =	dma.local [hbm:s5], s20  }
0x9e: {  	_ =	swait.ge [sflag:s22], s20  }
0x9f: {  	s4 =	ssub.s32 $0x0, s20;
	[sflag:s22] =	ssyncset.done $0x0  }
0xa0: {  	[sflag:s22] =	ssyncadd.s32 s4;
	_ =	sdelay $0x1  }
0xa1: {  	s23 =	simm.s32 $0x1B8B  }
0xa2: {  	_ =	swait.ge [sflag:s23], $0x1  }
0xa3: {  	[sflag:s23] =	ssyncset.done $0x0  }
0xa4: {  	s25 =	simm.s32 $0x1B8E;
	s24 =	sld [smem:$0x3FFE];
	[sflag:s23] =	ssyncadd.s32 $0xFFFFFFFF  }
0xa5: {  	s26 =	simm.s32 $execute0_lowered;
	[smem:$0x3FD2] =	sst s25  }
0xa6: {  	s5 =	sshll.u32 s26, $0x1;
	_ =	strace $0x80000046;
	[dreg:$0x1] =	wrdreg $0xFFFFFFFF  }
0xa7: {  	s28 =	simm.s32 $_size_execute0_lowered;
	s3 =	sadd.s32 s3, s5;
	[dreg:$0x0] =	wrdreg $0x0  }
0xa8: {  	s5 =	sshll.u32 s28, $0x1;
	[dreg:$0x2] =	wrdreg s3  }
0xa9: {  	[dreg:$0x3] =	wrdreg s5  }
0xaa: {  	[dreg:$0x4] =	wrdreg $0xC0  }
0xab: {  	_ =	task [dreg:s7], $0x5FFFF  }
0xac: {  	[dreg:$0x1] =	wrdreg $0xFFFFFFFF  }
0xad: {  	[dreg:$0x0] =	wrdreg $0x60  }
0xae: {  	[dreg:$0x2] =	wrdreg s2  }
0xaf: {  	[dreg:$0x3] =	wrdreg s24  }
0xb0: {  	[dreg:$0x4] =	wrdreg $0x84800  }
0xb1: {  	[dreg:$0x5] =	wrdreg $0x9  }
0xb2: {  	_ =	task.clear_ibuf [dreg:s7], $0x6FFFF;
	_ =	strace $0x90000046  }
0xb3: {  	s29 =	simm.s32 $0x9;
	_ =	strace $0x80000048  }
0xb4: {  	_ =	swait.ge [sflag:s29], $0x1  }
0xb5: {  	[sflag:s29] =	ssyncadd.s32 $0xFFFFFFFF  }
0xb6: {  	_ =	strace $0x90000048  }
0xb7: {  	_ =	sfence  }
0xb8: {  	s30 =	sld [smem:$0x0];
	_ =	sdelay $0x2  }
0xb9: {  	s31 =	sshll.u32 s1, $0xD;
	s1 =	sshrl.u32 s1, $0x2  }
0xba: {  	s3 =	sand.u32 $0x4000, s31;
	s1 =	sadd.s32 s1, s30  }
0xbb: {  	s0 =	sor.u32 s3, s0;
	s1 =	sshll.u32 s1, $0x11  }
0xbc: {  	s0 =	sor.u32 s1, s0  }
0xbd: {  	s0 =	sadd.s32 $0x8F2B, s0  }
0xbe: {  	[sflag:s0] =	ssyncadd.remote.s32 $0x1  }
0xbf: {  	_ =	sfence.sel $0xFFFF  }
0xc0: {  	[dreg:$0x0] =	wrdreg $0xFFFFFFFF;
	(pc) =	sbr.abs _section_cstart, $3  }
0xc1: {  	[dreg:$0x1] =	wrdreg $0xFFFFFFFF  }
0xc2: {  	_ =	task.clear_ibuf [dreg:s7], $0x2FFFF;
	_ =	strace $0x9FFFFFFF  }
0xc3: {  	(tm) =	ssettm $0x7FFFFFFF  }
tec
execute0_lowered:
.L_overlay_start_1:
0x0: {  	(tag) =	ssettag $0x1  }
0x1: {  	s2 =	rddreg [dreg:$0x0]  }
0x2: {  	s9 =	rddreg [dreg:$0x1]  }
0x3: {  	s3 =	rddreg [dreg:$0x2]  }
0x4: {  	s0 =	rddreg [dreg:$0x3];
	s1 =	stileid.u32  }
0x5: {  	s4 =	simm.s32 $0x0;
	s5 =	srdreg.scid;
	s18 =	simm.s32 $0x80  }
0x6: {  	s19 =	simm.s32 $0x2080;
	s20 =	simm.s32 $0x4080;
	s21 =	simm.s32 $0x1  }
0x7: {  	s22 =	simm.s32 $0x6080;
	s10 =	smul.u32 $0x16800, s1;
	[smem:$0x7FF] =	sst s4  }
0x8: {  	s12 =	sand.u32 $0x1, s5;
	s11 =	smul.u32 $0x2D00, s1;
	s5 =	sadd.s32 $0x14E00, s9  }
0x9: {  	s6 =	sadd.s32 $0x3C000, s9;
	s7 =	sadd.s32 $0xB000, s9;
	s8 =	sadd.s32 $0x1200, s9  }
0xa: {  	s30 =	sshll.u32 s1, $0x6;
	p0 =	slt.u32 s1, $0x4;
	s31 =	sshll.u32 s1, $0x7  }
0xb: {  	_ =	strace $0x80000047;
	s13 =	smul.u32 $0x2D000, s12;
	s28 =	ssub.s32 $0x2, s12  }
0xc: {  	s12 =	sshll.u32 s12, $0x6;
	s14 =	sshrl.u32 s10, $0x3;
	s29 =	sshrl.u32 s28, $0x1  }
0xd: {  	s17 =	sadd.s32 s10, s3;
	s10 =	sor.u32 $0x1C02, s30;
	s12 =	sor.u32 s12, s31  }
0xe: {  	s11 =	sadd.s32 s11, s13;
	s14 =	sadd.s32 s14, s9;
	s16 =	ssub.s32 s28, s29  }
0xf: {  	s15 =	sadd.s32 s11, s9;
	s9 =	sadd.s32 $0x63200, s14;
	s11 =	simm.s32 $0x9D  }
0x10: {  	s14 =	smax.u32 s16, $0x1;
	s16 =	simm.s32 $0x2;
	s11 =	simm.s32 @!p0 $0x9C  }
0x11: {  	vm0 =	vmmov $0x1;
	s13 =	sadd.s32 $0x90200, s15;
	s15 =	sshrl.u32 s17, $0x3;
	s17 =	simm.s32 $0x40  }
.LBB2_1:
0x12: {  	[spmem:s15], [sflag:s10] =	dma.local [hbm:s9], $0x2D00  }
0x13: {  	_ =	swait.ge [sflag:s16], $0x2D00  }
0x14: {  	[sflag:s16] =	ssyncset.done $0x0  }
0x15: {  	[sflag:s16] =	ssyncadd.s32 $0xFFFFD300  }
0x16: {  	s23 =	simm.s32 $0x0;
	[bflag:$0x0] =	sbarrier.arrive $0xFFFF  }
.LBB2_2:
0x17: {  	s24 =	sshll.u32 s23, $0xB  }
0x18: {  	s24 =	sor.u32 s12, s24  }
0x19: {  	s24 =	sshrl.u32 s24, $0x3  }
0x1a: {  	s26 =	simm.s32 $0x0;
	s25 =	sadd.s32 s7, s24  }
0x1b: {  	[tilespmem:s26], [sflag:$0x2] =	stream.linear.gather [hbm4b:s25+s26], $0x40, $0x38;
	[tilespmem:$0x1EC80] =	vst v63  }
0x1c: {  	_ =	swait.ge [sflag:s16], $0x40  }
0x1d: {  	[sflag:s16] =	ssyncset.done $0x0  }
0x1e: {  	s24 =	sadd.s32 s8, s24;
	[sflag:s16] =	ssyncadd.s32 $0xFFFFFFC0  }
0x1f: {  	[tilespmem:s17], [sflag:$0x2] =	stream.linear.gather [hbm4b:s24+s26], $0x40, $0x38;
	[tilespmem:$0x1EC80] =	vst v63  }
0x20: {  	_ =	swait.ge [sflag:s16], $0x40  }
0x21: {  	[sflag:s16] =	ssyncset.done $0x0  }
0x22: {  	[sflag:s16] =	ssyncadd.s32 $0xFFFFFFC0  }
0x23: {  	[tilespmem:s18], [sflag:$0x1] =	stream.indirect.gather [hbm4b:s2+s17], $0x80, s17, s17, $0xb8;
	[tilespmem:$0x1EC80] =	vst v63  }
0x24: {  	_ = 	snop  }
0x25: {  	[tilespmem:s19], [sflag:$0x1] =	stream.indirect.gather [hbm4b:s5+s17], $0x80, s26, s17, $0xb8;
	[tilespmem:$0x1EC80] =	vst v63  }
0x26: {  	_ = 	snop  }
0x27: {  	[tilespmem:s20], [sflag:$0x1] =	stream.indirect.gather [hbm4b:s6+s17], $0x80, s26, s17, $0xb8;
	[tilespmem:$0x1EC80] =	vst v63  }
0x28: {  	_ =	swait.ge [sflag:s21], $0x2000  }
0x29: {  	[sflag:s21] =	ssyncset.done $0x0  }
0x2a: {  	[sflag:s21] =	ssyncadd.s32 $0xFFFFE000  }
0x2b: {  	_ =	swait.ge [sflag:s21], $0x2000  }
0x2c: {  	[sflag:s21] =	ssyncset.done $0x0  }
0x2d: {  	[sflag:s21] =	ssyncadd.s32 $0xFFFFE000  }
0x2e: {  	_ =	swait.ge [sflag:s21], $0x2000  }
0x2f: {  	[sflag:s21] =	ssyncset.done $0x0  }
0x30: {  	s24 =	simm.s32 $0x0;
	[sflag:s21] =	ssyncadd.s32 $0xFFFFE000  }
0x31: {  	v0 =	vld [tilespmem:s24+$0x2090]  }
0x32: {  	v1 =	vld [tilespmem:s24+$0x80]  }
0x33: {  	v2 =	vld [tilespmem:s24+$0x90]  }
0x34: {  	v3 =	vld [tilespmem:s24+$0x2080];
	_ =	sdelay $0x4  }
0x35: {  	v0 =	vmul.f32 v0, v2;
	v1 =	vmul.f32 v3, v1;
	_ =	sdelay $0x1  }
0x36: {  	v0 =	vadd.f32 v0, v1;
	_ =	sdelay $0x1  }
0x37: {  	(xrf2) =	vadd.scan.msk.f32 $0xffff, v0;
	_ =	sdelay $0x9  }
0x38: {  	v0, _, _ =	vpop (xrf2)  }
0x39: {  	v0 =	vmul.f32 $1.442695020e+00, v0;
	_ =	sdelay $0x1  }
0x3a: {  	v0 =	vbroadcast v0, $0xF;
	_ =	sdelay $0x1  }
0x3b: {  	(erf) = vpow2.f32 v0;
	_ =	sdelay $0x4  }
0x3c: {  	v0 =	vld [tilespmem:s24+$0x4080];
	_ =	sdelay $0x3  }
0x3d: {  	v1 =	vpop (erf)  }
0x3e: {  	v0 =	vmul.f32 v1, v0  }
0x3f: {  	s25 =	simm.s32 $0x60C0  }
0x40: {  	[tilespmem:s25+$0xFFFFFFC0] =	vst v0  }
0x41: {  	v0 =	vld [tilespmem:s24+$0x4090];
	_ =	sdelay $0x4  }
0x42: {  	v0 =	vmul.f32 v1, v0;
	_ =	sdelay $0x1  }
0x43: {  	[tilespmem:s25+$0xFFFFFFD0] =	vst v0  }
0x44: {  	v0 =	vld [tilespmem:s24+$0xA0]  }
0x45: {  	v2 =	vld [tilespmem:s24+$0x20A0]  }
0x46: {  	v3 =	vld [tilespmem:s24+$0x20B0]  }
0x47: {  	v4 =	vld [tilespmem:s24+$0xB0];
	_ =	sdelay $0x4  }
0x48: {  	v0 =	vmul.f32 v2, v0;
	v2 =	vmul.f32 v3, v4;
	_ =	sdelay $0x1  }
0x49: {  	v0 =	vadd.f32 v2, v0;
	_ =	sdelay $0x1  }
0x4a: {  	(xrf2) =	vadd.scan.msk.f32 $0xffff, v0;
	_ =	sdelay $0x9  }
0x4b: {  	v0, _, _ =	vpop (xrf2)  }
0x4c: {  	v0 =	vmul.f32 $1.442695020e+00, v0;
	_ =	sdelay $0x1  }
0x4d: {  	v0 =	vbroadcast v0, $0xF;
	_ =	sdelay $0x1  }
0x4e: {  	(erf) = vpow2.f32 v0;
	_ =	sdelay $0x4  }
0x4f: {  	v0 =	vld [tilespmem:s24+$0x40A0];
	_ =	sdelay $0x3  }
0x50: {  	v2 =	vpop (erf)  }
0x51: {  	v0 =	vmul.f32 v2, v0;
	_ =	sdelay $0x1  }
0x52: {  	[tilespmem:s25+$0xFFFFFFE0] =	vst v0  }
0x53: {  	v0 =	vld [tilespmem:s24+$0x40B0];
	_ =	sdelay $0x4  }
0x54: {  	v0 =	vmul.f32 v2, v0;
	_ =	sdelay $0x1  }
0x55: {  	[tilespmem:s25+$0xFFFFFFF0] =	vst v0  }
0x56: {  	v0 =	vld [tilespmem:s24+$0xC0]  }
0x57: {  	v3 =	vld [tilespmem:s24+$0x20C0]  }
0x58: {  	v61 =	vld [tilespmem:s24+$0x20D0]  }
0x59: {  	v5 =	vld [tilespmem:s24+$0xD0];
	_ =	sdelay $0x4  }
0x5a: {  	v0 =	vmul.f32 v3, v0;
	v3 =	vmul.f32 v61, v5;
	_ =	sdelay $0x1  }
0x5b: {  	v0 =	vadd.f32 v3, v0;
	_ =	sdelay $0x1  }
0x5c: {  	(xrf2) =	vadd.scan.msk.f32 $0xffff, v0;
	_ =	sdelay $0x9  }
0x5d: {  	v0, _, _ =	vpop (xrf2)  }
0x5e: {  	v0 =	vmul.f32 $1.442695020e+00, v0;
	_ =	sdelay $0x1  }
0x5f: {  	v0 =	vbroadcast v0, $0xF;
	_ =	sdelay $0x1  }
0x60: {  	(erf) = vpow2.f32 v0;
	_ =	sdelay $0x4  }
0x61: {  	v0 =	vld [tilespmem:s24+$0x40C0];
	_ =	sdelay $0x3  }
0x62: {  	v3 =	vpop (erf)  }
0x63: {  	v0 =	vmul.f32 v3, v0;
	_ =	sdelay $0x1  }
0x64: {  	[tilespmem:s25+$0x0] =	vst v0  }
0x65: {  	v0 =	vld [tilespmem:s24+$0x40D0];
	_ =	sdelay $0x4  }
0x66: {  	v0 =	vmul.f32 v3, v0;
	_ =	sdelay $0x1  }
0x67: {  	[tilespmem:s25+$0x10] =	vst v0  }
0x68: {  	v0 =	vld [tilespmem:s24+$0xE0]  }
0x69: {  	v62 =	vld [tilespmem:s24+$0x20F0]  }
0x6a: {  	v63 =	vld [tilespmem:s24+$0x20E0]  }
0x6b: {  	v6 =	vld [tilespmem:s24+$0xF0];
	_ =	sdelay $0x4  }
0x6c: {  	v0 =	vmul.f32 v63, v0;
	v4 =	vmul.f32 v62, v6;
	_ =	sdelay $0x1  }
0x6d: {  	v0 =	vadd.f32 v4, v0;
	_ =	sdelay $0x1  }
0x6e: {  	(xrf2) =	vadd.scan.msk.f32 $0xffff, v0;
	_ =	sdelay $0x9  }
0x6f: {  	v0, _, _ =	vpop (xrf2)  }
0x70: {  	v1 =	vadd.f32 $0.0e+00, v1;
	v0 =	vmul.f32 $1.442695020e+00, v0;
	_ =	sdelay $0x1  }
0x71: {  	v1 =	vadd.f32 v2, v1;
	v2 =	vbroadcast v0, $0xF;
	_ =	sdelay $0x1  }
0x72: {  	s28 =	simm.s32 $0x200;
	s26 =	simm.s32 $0x60C0;
	v0 =	vadd.f32 v3, v1;
	v1 =	vld [tilespmem:s24+$0x40E0];
	(erf) = vpow2.f32 v2  }
.LBB2_3:
0x73: {  	_ =	sdelay $0x5  }
0x74: {  	p0 =	sne.s32 s28, $0x7E00  }
0x75: {  	s25 =	sadd.s32 $0x90, s25;
	s29 =	smov.u32 s28;
	s28 =	sadd.s32 $0x200, s28  }
0x76: {  	v2 =	vpop (erf)  }
0x77: {  	v1 =	vmul.f32 v2, v1;
	v0 =	vadd.f32 v2, v0;
	_ =	sdelay $0x1  }
0x78: {  	[tilespmem:s26+$0x20] =	vst v1  }
0x79: {  	v0 =	vnsel vm0, $0x0, v0;
	v1 =	vld [tilespmem:s24+$0x40F0]  }
0x7a: {  	[tilespmem:s26+$0x40] =	vst v0;
	_ =	sdelay $0x3  }
0x7b: {  	v0 =	vmul.f32 v2, v1;
	_ =	sdelay $0x1  }
0x7c: {  	s24 =	sshra.s32 s29, $0x2;
	[tilespmem:s26+$0x30] =	vst v0;
	s26 =	smov.u32 s25  }
0x7d: {  	v0 =	vld [tilespmem:s24+$0x2090]  }
0x7e: {  	v1 =	vld [tilespmem:s24+$0x80]  }
0x7f: {  	v2 =	vld [tilespmem:s24+$0x90]  }
0x80: {  	v3 =	vld [tilespmem:s24+$0x2080];
	_ =	sdelay $0x3  }
0x81: {  	v0 =	vmul.f32 v0, v2  }
0x82: {  	v1 =	vmul.f32 v3, v1;
	_ =	sdelay $0x1  }
0x83: {  	v0 =	vadd.f32 v0, v1;
	_ =	sdelay $0x1  }
0x84: {  	(xrf2) =	vadd.scan.msk.f32 $0xffff, v0;
	_ =	sdelay $0x9  }
0x85: {  	v0, _, _ =	vpop (xrf2)  }
0x86: {  	v0 =	vmul.f32 $1.442695020e+00, v0;
	_ =	sdelay $0x1  }
0x87: {  	v0 =	vbroadcast v0, $0xF;
	_ =	sdelay $0x1  }
0x88: {  	(erf) = vpow2.f32 v0;
	_ =	sdelay $0x4  }
0x89: {  	v1 =	vld [tilespmem:s24+$0x4080];
	_ =	sdelay $0x3  }
0x8a: {  	v0 =	vpop (erf)  }
0x8b: {  	v1 =	vmul.f32 v0, v1;
	_ =	sdelay $0x1  }
0x8c: {  	[tilespmem:s25+$0xFFFFFFC0] =	vst v1  }
0x8d: {  	v1 =	vld [tilespmem:s24+$0x4090];
	_ =	sdelay $0x4  }
0x8e: {  	v1 =	vmul.f32 v0, v1;
	_ =	sdelay $0x1  }
0x8f: {  	[tilespmem:s25+$0xFFFFFFD0] =	vst v1  }
0x90: {  	v1 =	vld [tilespmem:s24+$0xA0]  }
0x91: {  	v2 =	vld [tilespmem:s24+$0x20A0]  }
0x92: {  	v3 =	vld [tilespmem:s24+$0x20B0]  }
0x93: {  	v4 =	vld [tilespmem:s24+$0xB0];
	_ =	sdelay $0x2  }
0x94: {  	v1 =	vmul.f32 v2, v1;
	_ =	sdelay $0x1  }
0x95: {  	v2 =	vmul.f32 v3, v4;
	_ =	sdelay $0x1  }
0x96: {  	v1 =	vadd.f32 v2, v1;
	_ =	sdelay $0x1  }
0x97: {  	(xrf2) =	vadd.scan.msk.f32 $0xffff, v1;
	_ =	sdelay $0x9  }
0x98: {  	v1, _, _ =	vpop (xrf2)  }
0x99: {  	v1 =	vmul.f32 $1.442695020e+00, v1;
	_ =	sdelay $0x1  }
0x9a: {  	v1 =	vbroadcast v1, $0xF;
	_ =	sdelay $0x1  }
0x9b: {  	(erf) = vpow2.f32 v1;
	_ =	sdelay $0x4  }
0x9c: {  	v1 =	vld [tilespmem:s24+$0x40A0];
	_ =	sdelay $0x3  }
0x9d: {  	v2 =	vpop (erf)  }
0x9e: {  	v1 =	vmul.f32 v2, v1;
	_ =	sdelay $0x1  }
0x9f: {  	[tilespmem:s25+$0xFFFFFFE0] =	vst v1  }
0xa0: {  	v1 =	vld [tilespmem:s24+$0x40B0];
	_ =	sdelay $0x4  }
0xa1: {  	v1 =	vmul.f32 v2, v1;
	_ =	sdelay $0x1  }
0xa2: {  	[tilespmem:s25+$0xFFFFFFF0] =	vst v1  }
0xa3: {  	v1 =	vld [tilespmem:s24+$0xC0]  }
0xa4: {  	v3 =	vld [tilespmem:s24+$0x20C0]  }
0xa5: {  	v4 =	vld [tilespmem:s24+$0x20D0]  }
0xa6: {  	v5 =	vld [tilespmem:s24+$0xD0];
	_ =	sdelay $0x2  }
0xa7: {  	v1 =	vmul.f32 v3, v1;
	_ =	sdelay $0x1  }
0xa8: {  	v3 =	vmul.f32 v4, v5;
	_ =	sdelay $0x1  }
0xa9: {  	v1 =	vadd.f32 v3, v1;
	_ =	sdelay $0x1  }
0xaa: {  	(xrf2) =	vadd.scan.msk.f32 $0xffff, v1;
	_ =	sdelay $0x9  }
0xab: {  	v1, _, _ =	vpop (xrf2)  }
0xac: {  	v1 =	vmul.f32 $1.442695020e+00, v1;
	_ =	sdelay $0x1  }
0xad: {  	v1 =	vbroadcast v1, $0xF;
	_ =	sdelay $0x1  }
0xae: {  	(erf) = vpow2.f32 v1;
	_ =	sdelay $0x4  }
0xaf: {  	v1 =	vld [tilespmem:s24+$0x40C0]  }
0xb0: {  	v0 =	vadd.f32 $0.0e+00, v0;
	_ =	sdelay $0x1  }
0xb1: {  	v0 =	vadd.f32 v2, v0  }
0xb2: {  	v2 =	vpop (erf)  }
0xb3: {  	v1 =	vmul.f32 v2, v1;
	v0 =	vadd.f32 v2, v0;
	_ =	sdelay $0x1  }
0xb4: {  	[tilespmem:s25+$0x0] =	vst v1  }
0xb5: {  	v1 =	vld [tilespmem:s24+$0x40D0];
	_ =	sdelay $0x4  }
0xb6: {  	v1 =	vmul.f32 v2, v1;
	_ =	sdelay $0x1  }
0xb7: {  	[tilespmem:s25+$0x10] =	vst v1  }
0xb8: {  	v2 =	vld [tilespmem:s24+$0xE0]  }
0xb9: {  	v3 =	vld [tilespmem:s24+$0x20F0]  }
0xba: {  	v4 =	vld [tilespmem:s24+$0x20E0]  }
0xbb: {  	v5 =	vld [tilespmem:s24+$0xF0]  }
0xbc: {  	v1 =	vld [tilespmem:s24+$0x40E0];
	_ =	sdelay $0x2  }
0xbd: {  	v2 =	vmul.f32 v4, v2  }
0xbe: {  	v3 =	vmul.f32 v3, v5;
	_ =	sdelay $0x1  }
0xbf: {  	v2 =	vadd.f32 v3, v2;
	_ =	sdelay $0x1  }
0xc0: {  	(xrf2) =	vadd.scan.msk.f32 $0xffff, v2;
	_ =	sdelay $0x9  }
0xc1: {  	v2, _, _ =	vpop (xrf2)  }
.Ltmp0:
0xc2: {  	v2 =	vmul.f32 $1.442695020e+00, v2;
	(pc) =	sbr.rel @p0 .LBB2_3-.Ltmp0, $3  }
0xc3: {  	_ = 	snop  }
0xc4: {  	v2 =	vbroadcast v2, $0xF;
	_ =	sdelay $0x1  }
0xc5: {  	(erf) = vpow2.f32 v2  }
0xc6: {  	_ =	sdelay $0x7  }
0xc7: {  	v2 =	vpop (erf)  }
0xc8: {  	v1 =	vmul.f32 v2, v1;
	_ =	sdelay $0x1  }
0xc9: {  	[tilespmem:s26+$0x20] =	vst v1  }
0xca: {  	v1 =	vld [tilespmem:s24+$0x40F0];
	_ =	sdelay $0x2  }
0xcb: {  	v0 =	vadd.f32 v2, v0;
	_ =	sdelay $0x1  }
0xcc: {  	s23 =	sadd.s32 $0x1, s23;
	v0 =	vnsel vm0, $0x0, v0;
	v1 =	vmul.f32 v2, v1  }
0xcd: {  	p0 =	sne.s32 s23, s11;
	[tilespmem:s26+$0x40] =	vst v0  }
.Ltmp1:
0xce: {  	[tilespmem:s26+$0x30] =	vst v1;
	(pc) =	sbr.rel @p0 .LBB2_2-.Ltmp1, $4  }
0xcf: {  	[spmem:s3] =	stream.indirect.scatter.add.f32 [tilespmem:s22], [sflag:$0x2], $0x90, s17, s17, $0xb8;
	[tilespmem:$0x1EC80] =	vst v63  }
0xd0: {  	_ =	swait.ge [sflag:s16], $0x2400  }
0xd1: {  	[sflag:s16] =	ssyncset.done $0x0  }
0xd2: {  	[sflag:s16] =	ssyncadd.s32 $0xFFFFDC00  }
0xd3: {  	s4 =	sadd.s32 $0x1, s4  }
0xd4: {  	p0 =	sne.s32 s4, s14  }
.Ltmp2:
0xd5: {  	[bflag:$0x0] =	sbarrier.arrive $0xFFFF;
	(pc) =	sbr.rel @p0 .LBB2_1-.Ltmp2, $4  }
0xd6: {  	[hbm:s13], [sflag:s10] =	dma.local [spmem:s15], $0x2D00  }
0xd7: {  	_ =	swait.ge [sflag:s16], $0x2D00  }
0xd8: {  	[sflag:s16] =	ssyncset.done $0x0  }
0xd9: {  	[sflag:s16] =	ssyncadd.s32 $0xFFFFD300  }
0xda: {  	_ =	sfence.sel $0x180000  }
0xdb: {  	[bflag:$0x0] =	sbarrier.arrive $0xFFFF  }
0xdc: {  	p0 =	sne.s32 s1, $0x0;
	_ =	strace $0x90000047  }
0xdd: {  	s0 =	sadd.s32 @!p0 $0x100000, s0;
	[bflag:$0x2] =	sbarrier.arrive $0xFFFF  }
0xde: {  	[sflag:s0] =	ssyncadd.tile.s32 @!p0 $0x1;
	_ =	shalt  }
.Lfunc_end2:
_tile_overlayer_lowered:
.L_overlay_start_2:
0xdf: {  	(tag) =	ssettag $0x2  }
0xe0: {  	s0 =	rddreg [dreg:$0x0];
	s2 =	stileid.u32  }
0xe1: {  	s1 =	rddreg [dreg:$0x1];
	p0 =	sne.s32 s2, $0x0  }
0xe2: {  	s3 =	rddreg [dreg:$0x2];
	[bflag:$0x3] =	sbarrier.arrive $0xFFFF;
	s2 =	simm.s32 @!p0 $0x1C02  }
0xe3: {  	[timem:s3], [sflag:s2] =	dma.local @!p0 [hbm:s0], s1  }
0xe4: {  	s0 =	simm.s32 @!p0 $0x2  }
0xe5: {  	_ =	swait.ge @!p0 [sflag:s0], s1  }
0xe6: {  	s1 =	ssub.s32 @!p0 $0x0, s1;
	[sflag:s0] =	ssyncset.done @!p0 $0x0  }
0xe7: {  	[sflag:s0] =	ssyncadd.s32 @!p0 s1  }
0xe8: {  	[bflag:$0x3] =	sbarrier.arrive $0xFFFF  }
0xe9: {  	_ =	shalt  }

</sc_bundles>
